<compile_context>
chip_gen: v7x
topology: tpu7x:2x2x1
jax: 0.10.2.dev20260603
libtpu: 0.0.44.dev20260713+nightly
codegen_flags: <defaults>
</compile_context>

<pallas_src>
import jax
import jax.numpy as jnp
from jax import lax
from jax.experimental import pallas as pl
from jax.experimental.pallas import tpu as pltpu
from jax.experimental.pallas import tpu_sc as plsc

_DIM = 64
_ROW_BLOCK = 512
_ETP = 4096
_RTP = 1024


def _log_sigmoid(x):
    return jnp.minimum(x, 0.0) - jnp.log(1.0 + jnp.exp(-jnp.abs(x)))


def _make_transpose_pack(n_rows, c):
    grid = (n_rows + c - 1) // c
    half = c // 2

    def body(in_ref, out_ref):
        x = in_ref[...].reshape(_DIM, c)
        out_ref[:, :_DIM] = x[:, :half].T
        out_ref[:, _DIM:] = x[:, half:].T

    return pl.pallas_call(
        body,
        grid=(grid,),
        in_specs=[pl.BlockSpec((8, 8, c), lambda i: (0, 0, i))],
        out_specs=pl.BlockSpec((half, 2 * _DIM), lambda i: (i, 0)),
        out_shape=jax.ShapeDtypeStruct((grid * half, 2 * _DIM), jnp.float32),
    )


def _make_sc_gather(n_ent_rows, n_rel_rows, e_shift, r_shift):
    info = plsc.get_sparse_core_info()
    nc, ns = info.num_cores, info.num_subcores
    nw = nc * ns
    ec = n_ent_rows // 128
    rc = n_rel_rows // 128
    assert ec * 128 == n_ent_rows and rc * 128 == n_rel_rows
    mesh = plsc.VectorSubcoreMesh(core_axis_name="c", subcore_axis_name="s")

    def gather_chunk(idx_hbm, src_hbm, out_hbm, idx_v, qidx_v, wide_v,
                     sem, c0, shift):
        c0 = pl.multiple_of(c0, 128)
        hmask = (1 << (shift - 1)) - 1
        pltpu.sync_copy(idx_hbm.at[pl.ds(c0, 128)], idx_v)
        for g in range(8):
            r = idx_v[pl.ds(g * 16, 16)]
            qidx_v[pl.ds(g * 16, 16)] = ((r >> shift) << (shift - 1)) | (r & hmask)
        pltpu.async_copy(src_hbm.at[qidx_v], wide_v, sem).wait()
        pltpu.sync_copy(wide_v, out_hbm.at[pl.ds(c0, 128)])

    def body(ent_hbm, rel_hbm, eidx_hbm, ridx_hbm, ent_out, rel_out,
             idx_v, qidx_v, wide_v, sem):
        wid = lax.axis_index("s") * nc + lax.axis_index("c")
        for t in range((ec + nw - 1) // nw):
            cid = lax.rem(t * nw + wid, ec)
            gather_chunk(eidx_hbm, ent_hbm, ent_out, idx_v, qidx_v, wide_v,
                         sem, cid * 128, e_shift)
        for t in range((rc + nw - 1) // nw):
            cid = lax.rem(t * nw + wid, rc)
            gather_chunk(ridx_hbm, rel_hbm, rel_out, idx_v, qidx_v, wide_v,
                         sem, cid * 128, r_shift)

    return pl.kernel(
        body,
        out_type=(jax.ShapeDtypeStruct((n_ent_rows, 2 * _DIM), jnp.float32),
                  jax.ShapeDtypeStruct((n_rel_rows, 2 * _DIM), jnp.float32)),
        mesh=mesh,
        scratch_types=[
            pltpu.VMEM((128,), jnp.int32),
            pltpu.VMEM((128,), jnp.int32),
            pltpu.VMEM((128, 2 * _DIM), jnp.float32),
            pltpu.SemaphoreType.DMA,
        ],
        compiler_params=pltpu.CompilerParams(use_tc_tiling_on_sc=True,
                                             needs_layout_passes=False),
    )


def _make_tc_score(n_pos, n_neg, interpret=False):
    b = _ROW_BLOCK
    grid = n_pos // b
    t_off = n_pos // b
    neg_blk_idx = (2 * n_pos) // n_neg

    def sel(wide, p):
        return wide[:, :_DIM] + (wide[:, _DIM:] - wide[:, :_DIM]) * p

    def body(h_ref, t_ref, neg_ref, r_ref, ph_ref, pt_ref, pn_ref, pr_ref,
             w_ref, ns_ref, pos_ref, loss_ref):
        i = pl.program_id(0)
        h = sel(h_ref[...], ph_ref[...])
        t = sel(t_ref[...], pt_ref[...])
        neg = sel(neg_ref[...], pn_ref[...])
        r = sel(r_ref[...], pr_ref[...])
        hr = h * r
        pos = jnp.sum(hr * t, axis=1)
        pos_ref[...] = pos
        s = lax.dot_general(hr, neg, (((1,), (1,)), ((), ())),
                            preferred_element_type=jnp.float32,
                            precision=lax.Precision.HIGHEST)
        ns_ref[...] = s
        pos_l = _log_sigmoid(pos)
        neg_l = jnp.mean(_log_sigmoid(-s), axis=1)
        part = jnp.sum(w_ref[...] * (pos_l + neg_l))

        @pl.when(i == 0)
        def _init():
            loss_ref[0, 0] = 0.0

        loss_ref[0, 0] -= part

    wd = 2 * _DIM
    return pl.pallas_call(
        body,
        grid=(grid,),
        in_specs=[
            pl.BlockSpec((b, wd), lambda i: (i, 0)),
            pl.BlockSpec((b, wd), lambda i: (i + t_off, 0)),
            pl.BlockSpec((n_neg, wd), lambda i: (neg_blk_idx, 0)),
            pl.BlockSpec((b, wd), lambda i: (i, 0)),
            pl.BlockSpec((b, 1), lambda i: (i, 0)),
            pl.BlockSpec((b, 1), lambda i: (i + t_off, 0)),
            pl.BlockSpec((n_neg, 1), lambda i: (neg_blk_idx, 0)),
            pl.BlockSpec((b, 1), lambda i: (i, 0)),
            pl.BlockSpec((b,), lambda i: (i,)),
        ],
        out_specs=[
            pl.BlockSpec((b, n_neg), lambda i: (i, 0)),
            pl.BlockSpec((b,), lambda i: (i,)),
            pl.BlockSpec(memory_space=pltpu.SMEM),
        ],
        out_shape=[
            jax.ShapeDtypeStruct((n_pos, n_neg), jnp.float32),
            jax.ShapeDtypeStruct((n_pos,), jnp.float32),
            jax.ShapeDtypeStruct((1, 1), jnp.float32),
        ],
        interpret=interpret,
    )


def kernel(head, relation, tail, negative, triple_weight,
           entity_embedding, relation_embedding):
    n_pos = head.size
    n_neg = negative.size
    n_ent = entity_embedding.shape[0]
    n_rel = relation_embedding.shape[0]
    h_idx = head.reshape(-1)
    r_idx = relation.reshape(-1)
    t_idx = tail.reshape(-1)
    n_idx = negative.reshape(-1)
    ent_idx = jnp.concatenate([h_idx, t_idx, n_idx])

    e3 = entity_embedding.T.reshape(8, 8, n_ent)
    r3 = relation_embedding.T.reshape(8, 8, n_rel)
    epacked = _make_transpose_pack(n_ent, _ETP)(e3)
    rpacked = _make_transpose_pack(n_rel, _RTP)(
        jnp.pad(r3, ((0, 0), (0, 0), (0, _RTP - n_rel))))

    ent_wide, rel_wide = _make_sc_gather(
        ent_idx.shape[0], n_pos, _ETP.bit_length() - 1, _RTP.bit_length() - 1)(
        epacked, rpacked, ent_idx, r_idx)

    ep = ((ent_idx >> (_ETP.bit_length() - 2)) & 1).astype(jnp.float32)
    rp = ((r_idx >> (_RTP.bit_length() - 2)) & 1).astype(jnp.float32)
    ep = ep.reshape(-1, 1)
    rp = rp.reshape(-1, 1)

    ns, pos, loss = _make_tc_score(n_pos, n_neg)(
        ent_wide, ent_wide, ent_wide, rel_wide, ep, ep, ep, rp, triple_weight)
    return loss[0, 0], pos, ns

# --- scband reference (transcript-rebuilt; emitter-appended) ---
"""Pipeline reference for scband-bess-kge-14663018348641 (READ-ONLY COPY).

The authoritative reference and input builder live on the scoring server;
editing this copy changes nothing except your own understanding.
"""

import jax, jax.numpy as jnp
import numpy as np

N_ENT = 1000000
N_REL = 1000
DIM = 64
N_SHARD = 8
PPP = 512
PAD_NEG = 256


def setup_inputs(seed: int = 0) -> dict:
    key = jax.random.key(seed)
    k = jax.random.split(key, 7)
    head = jax.random.randint(k[0], (N_SHARD, PPP), 0, N_ENT, dtype=jnp.int32)
    relation = jax.random.randint(k[1], (N_SHARD, PPP), 0, N_REL, dtype=jnp.int32)
    tail = jax.random.randint(k[2], (N_SHARD, PPP), 0, N_ENT, dtype=jnp.int32)
    negative = jax.random.randint(k[3], (N_SHARD, 1, PAD_NEG), 0, N_ENT, dtype=jnp.int32)
    triple_weight = jax.random.uniform(k[4], (N_SHARD * PPP,), dtype=jnp.float32) / (N_SHARD * PPP)
    entity_embedding = jax.random.normal(k[5], (N_ENT, DIM), dtype=jnp.float32) * 0.02
    relation_embedding = jax.random.normal(k[6], (N_REL, DIM), dtype=jnp.float32) * 0.02
    return {
        "head": head,
        "relation": relation,
        "tail": tail,
        "negative": negative,
        "triple_weight": triple_weight,
        "entity_embedding": entity_embedding,
        "relation_embedding": relation_embedding,
    }


def reference(head, relation, tail, negative, triple_weight, entity_embedding, relation_embedding):
    # Phase 1: gather relevant embeddings (the dominant SparseCore workload)
    h_idx = head.reshape(-1)
    r_idx = relation.reshape(-1)
    t_idx = tail.reshape(-1)
    n_idx = negative.reshape(-1)  # flat negative format with negative sample sharing
    h = jnp.take(entity_embedding, h_idx, axis=0)
    t = jnp.take(entity_embedding, t_idx, axis=0)
    r = jnp.take(relation_embedding, r_idx, axis=0)
    neg = jnp.take(entity_embedding, n_idx, axis=0)
    # Phase 3: score positive and negative triples (DistMult score_fn)
    positive_score = jnp.sum(h * r * t, axis=-1)  # (n_shard * ppp,)
    negative_score = (h * r) @ neg.T  # (n_shard * ppp, n_shard * pad_neg)
    # Phase 4: logsigmoid loss weighted by triple_weight
    pos_l = jax.nn.log_sigmoid(positive_score)
    neg_l = jnp.mean(jax.nn.log_sigmoid(-negative_score), axis=-1)
    loss = -jnp.sum(triple_weight * (pos_l + neg_l))
    return loss, positive_score, negative_score

if __name__ == "__main__":
    import jax
    _d = setup_inputs()
    print(jax.jit(kernel)(*tuple(_d.values())))

</pallas_src>

<mosaic_0001>
#map = affine_map<(d0, d1) -> (0, 0)>
#map1 = affine_map<(d0, d1) -> (0)>
module attributes {stable_mosaic.version = 14 : i64} {
  func.func @body(%arg0: i32, %arg1: i32, %arg2: memref<501760x128xf32, #tpu.memory_space<hbm>>, %arg3: memref<512x128xf32, #tpu.memory_space<hbm>>, %arg4: memref<10240xi32, #tpu.memory_space<hbm>>, %arg5: memref<4096xi32, #tpu.memory_space<hbm>>, %arg6: memref<10240x128xf32, #tpu.memory_space<hbm>>, %arg7: memref<4096x128xf32, #tpu.memory_space<hbm>>, %arg8: memref<128xi32, #tpu.memory_space<vmem>>, %arg9: memref<128xi32, #tpu.memory_space<vmem>>, %arg10: memref<128x128xf32, #tpu.memory_space<vmem>>, %arg11: memref<!tpu.dma_semaphore, #tpu.memory_space<semaphore_mem>>) attributes {dimension_semantics = [#tpu.dimension_semantics<core_parallel>, #tpu.dimension_semantics<subcore_parallel>], iteration_bounds = array<i64: 2, 16>, scalar_prefetch = 0 : i64, scratch_operands = 4 : i64, tpu.core_type = #tpu.core_type<sc_vector_subcore>, window_params = [{transform_indices = #map}, {transform_indices = #map}, {transform_indices = #map1}, {transform_indices = #map1}, {transform_indices = #map}, {transform_indices = #map}]} {
    %mul3A = arith.constant 2 : i32
    %mul3A_0 = arith.muli %arg1, %mul3A : i32
    %add3A = arith.addi %mul3A_0, %arg0 : i32
    %add3A_1 = arith.constant 0 : i32
    %add3A_2 = arith.addi %add3A_1, %add3A : i32
    %rem3A = arith.constant 80 : i32
    %rem3A_3 = arith.remsi %add3A_2, %rem3A : i32
    %mul3A_4 = arith.constant 128 : i32
    %mul3A_5 = arith.muli %rem3A_3, %mul3A_4 : i32
    %multiple_of3A = tpu.assume_multiple %mul3A_5, 128 : i32
    "tpu.region"() ({
      %run_scoped3A = tpu.sem_alloc : memref<!tpu.dma_semaphore, #tpu.memory_space<semaphore_mem>>
      %dma_start3A_491 = tpu.memref_slice %arg4[%multiple_of3A] : memref<10240xi32, #tpu.memory_space<hbm>> -> memref<128xi32, #tpu.memory_space<hbm>>
      %dma_start3A_492 = tpu.memref_slice %arg4[%multiple_of3A] : memref<10240xi32, #tpu.memory_space<hbm>> -> memref<128xi32, #tpu.memory_space<hbm>>
      tpu.enqueue_dma source(%dma_start3A_492 : memref<128xi32, #tpu.memory_space<hbm>>) target(%arg8 : memref<128xi32, #tpu.memory_space<vmem>>) target_semaphore(%run_scoped3A : memref<!tpu.dma_semaphore, #tpu.memory_space<semaphore_mem>>)
      %dma_wait3A_493 = tpu.memref_slice %arg4[%multiple_of3A] : memref<10240xi32, #tpu.memory_space<hbm>> -> memref<128xi32, #tpu.memory_space<hbm>>
      %dma_wait3A_494 = tpu.memref_slice %arg4[%multiple_of3A] : memref<10240xi32, #tpu.memory_space<hbm>> -> memref<128xi32, #tpu.memory_space<hbm>>
      tpu.wait_dma2 semaphore(%run_scoped3A : memref<!tpu.dma_semaphore, #tpu.memory_space<semaphore_mem>>) src(%dma_wait3A_494 : memref<128xi32, #tpu.memory_space<hbm>>) dst(%arg8 : memref<128xi32, #tpu.memory_space<vmem>>)
      tpu.yield
    }) : () -> ()
    %get3A = arith.constant 0 : index
    %get3A_6 = tpu.vector_load %arg8[%get3A] {strides = array<i32>} : memref<128xi32, #tpu.memory_space<vmem>>, vector<16xi32>,
    %shift_right_arithmetic3A = arith.constant 12 : i32
    %shift_right_arithmetic3A_7 = vector.broadcast %shift_right_arithmetic3A : i32 to vector<16xi32>
    %shift_right_arithmetic3A_8 = arith.shrsi %get3A_6, %shift_right_arithmetic3A_7 : vector<16xi32>
    %shift_left3A = arith.constant 11 : i32
    %shift_left3A_9 = vector.broadcast %shift_left3A : i32 to vector<16xi32>
    %shift_left3A_10 = arith.shli %shift_right_arithmetic3A_8, %shift_left3A_9 : vector<16xi32>
    %and3A = arith.constant 2047 : i32
    %and3A_11 = vector.broadcast %and3A : i32 to vector<16xi32>
    %and3A_12 = arith.andi %get3A_6, %and3A_11 : vector<16xi32>
    %or3A = arith.ori %shift_left3A_10, %and3A_12 : vector<16xi32>
    %swap3A = arith.constant 0 : index
    %swap3A_13 = tpu.vector_load %arg9[%swap3A] {strides = array<i32>} : memref<128xi32, #tpu.memory_space<vmem>>, vector<16xi32>,
    tpu.vector_store %arg9[%swap3A], %or3A {strides = array<i32>} : memref<128xi32, #tpu.memory_space<vmem>>, vector<16xi32>,
    %get3A_14 = arith.constant 16 : index
    %get3A_15 = tpu.vector_load %arg8[%get3A_14] {strides = array<i32>} : memref<128xi32, #tpu.memory_space<vmem>>, vector<16xi32>,
    %shift_right_arithmetic3A_16 = arith.constant 12 : i32
    %shift_right_arithmetic3A_17 = vector.broadcast %shift_right_arithmetic3A_16 : i32 to vector<16xi32>
    %shift_right_arithmetic3A_18 = arith.shrsi %get3A_15, %shift_right_arithmetic3A_17 : vector<16xi32>
    %shift_left3A_19 = arith.constant 11 : i32
    %shift_left3A_20 = vector.broadcast %shift_left3A_19 : i32 to vector<16xi32>
    %shift_left3A_21 = arith.shli %shift_right_arithmetic3A_18, %shift_left3A_20 : vector<16xi32>
    %and3A_22 = arith.constant 2047 : i32
    %and3A_23 = vector.broadcast %and3A_22 : i32 to vector<16xi32>
    %and3A_24 = arith.andi %get3A_15, %and3A_23 : vector<16xi32>
    %or3A_25 = arith.ori %shift_left3A_21, %and3A_24 : vector<16xi32>
    %swap3A_26 = arith.constant 16 : index
    %swap3A_27 = tpu.vector_load %arg9[%swap3A_26] {strides = array<i32>} : memref<128xi32, #tpu.memory_space<vmem>>, vector<16xi32>,
    tpu.vector_store %arg9[%swap3A_26], %or3A_25 {strides = array<i32>} : memref<128xi32, #tpu.memory_space<vmem>>, vector<16xi32>,
    %get3A_28 = arith.constant 32 : index
    %get3A_29 = tpu.vector_load %arg8[%get3A_28] {strides = array<i32>} : memref<128xi32, #tpu.memory_space<vmem>>, vector<16xi32>,
    %shift_right_arithmetic3A_30 = arith.constant 12 : i32
    %shift_right_arithmetic3A_31 = vector.broadcast %shift_right_arithmetic3A_30 : i32 to vector<16xi32>
    %shift_right_arithmetic3A_32 = arith.shrsi %get3A_29, %shift_right_arithmetic3A_31 : vector<16xi32>
    %shift_left3A_33 = arith.constant 11 : i32
    %shift_left3A_34 = vector.broadcast %shift_left3A_33 : i32 to vector<16xi32>
    %shift_left3A_35 = arith.shli %shift_right_arithmetic3A_32, %shift_left3A_34 : vector<16xi32>
    %and3A_36 = arith.constant 2047 : i32
    %and3A_37 = vector.broadcast %and3A_36 : i32 to vector<16xi32>
    %and3A_38 = arith.andi %get3A_29, %and3A_37 : vector<16xi32>
    %or3A_39 = arith.ori %shift_left3A_35, %and3A_38 : vector<16xi32>
    %swap3A_40 = arith.constant 32 : index
    %swap3A_41 = tpu.vector_load %arg9[%swap3A_40] {strides = array<i32>} : memref<128xi32, #tpu.memory_space<vmem>>, vector<16xi32>,
    tpu.vector_store %arg9[%swap3A_40], %or3A_39 {strides = array<i32>} : memref<128xi32, #tpu.memory_space<vmem>>, vector<16xi32>,
    %get3A_42 = arith.constant 48 : index
    %get3A_43 = tpu.vector_load %arg8[%get3A_42] {strides = array<i32>} : memref<128xi32, #tpu.memory_space<vmem>>, vector<16xi32>,
    %shift_right_arithmetic3A_44 = arith.constant 12 : i32
    %shift_right_arithmetic3A_45 = vector.broadcast %shift_right_arithmetic3A_44 : i32 to vector<16xi32>
    %shift_right_arithmetic3A_46 = arith.shrsi %get3A_43, %shift_right_arithmetic3A_45 : vector<16xi32>
    %shift_left3A_47 = arith.constant 11 : i32
    %shift_left3A_48 = vector.broadcast %shift_left3A_47 : i32 to vector<16xi32>
    %shift_left3A_49 = arith.shli %shift_right_arithmetic3A_46, %shift_left3A_48 : vector<16xi32>
    %and3A_50 = arith.constant 2047 : i32
    %and3A_51 = vector.broadcast %and3A_50 : i32 to vector<16xi32>
    %and3A_52 = arith.andi %get3A_43, %and3A_51 : vector<16xi32>
    %or3A_53 = arith.ori %shift_left3A_49, %and3A_52 : vector<16xi32>
    %swap3A_54 = arith.constant 48 : index
    %swap3A_55 = tpu.vector_load %arg9[%swap3A_54] {strides = array<i32>} : memref<128xi32, #tpu.memory_space<vmem>>, vector<16xi32>,
    tpu.vector_store %arg9[%swap3A_54], %or3A_53 {strides = array<i32>} : memref<128xi32, #tpu.memory_space<vmem>>, vector<16xi32>,
    %get3A_56 = arith.constant 64 : index
    %get3A_57 = tpu.vector_load %arg8[%get3A_56] {strides = array<i32>} : memref<128xi32, #tpu.memory_space<vmem>>, vector<16xi32>,
    %shift_right_arithmetic3A_58 = arith.constant 12 : i32
    %shift_right_arithmetic3A_59 = vector.broadcast %shift_right_arithmetic3A_58 : i32 to vector<16xi32>
    %shift_right_arithmetic3A_60 = arith.shrsi %get3A_57, %shift_right_arithmetic3A_59 : vector<16xi32>
    %shift_left3A_61 = arith.constant 11 : i32
    %shift_left3A_62 = vector.broadcast %shift_left3A_61 : i32 to vector<16xi32>
    %shift_left3A_63 = arith.shli %shift_right_arithmetic3A_60, %shift_left3A_62 : vector<16xi32>
    %and3A_64 = arith.constant 2047 : i32
    %and3A_65 = vector.broadcast %and3A_64 : i32 to vector<16xi32>
    %and3A_66 = arith.andi %get3A_57, %and3A_65 : vector<16xi32>
    %or3A_67 = arith.ori %shift_left3A_63, %and3A_66 : vector<16xi32>
    %swap3A_68 = arith.constant 64 : index
    %swap3A_69 = tpu.vector_load %arg9[%swap3A_68] {strides = array<i32>} : memref<128xi32, #tpu.memory_space<vmem>>, vector<16xi32>,
    tpu.vector_store %arg9[%swap3A_68], %or3A_67 {strides = array<i32>} : memref<128xi32, #tpu.memory_space<vmem>>, vector<16xi32>,
    %get3A_70 = arith.constant 80 : index
    %get3A_71 = tpu.vector_load %arg8[%get3A_70] {strides = array<i32>} : memref<128xi32, #tpu.memory_space<vmem>>, vector<16xi32>,
    %shift_right_arithmetic3A_72 = arith.constant 12 : i32
    %shift_right_arithmetic3A_73 = vector.broadcast %shift_right_arithmetic3A_72 : i32 to vector<16xi32>
    %shift_right_arithmetic3A_74 = arith.shrsi %get3A_71, %shift_right_arithmetic3A_73 : vector<16xi32>
    %shift_left3A_75 = arith.constant 11 : i32
    %shift_left3A_76 = vector.broadcast %shift_left3A_75 : i32 to vector<16xi32>
    %shift_left3A_77 = arith.shli %shift_right_arithmetic3A_74, %shift_left3A_76 : vector<16xi32>
    %and3A_78 = arith.constant 2047 : i32
    %and3A_79 = vector.broadcast %and3A_78 : i32 to vector<16xi32>
    %and3A_80 = arith.andi %get3A_71, %and3A_79 : vector<16xi32>
    %or3A_81 = arith.ori %shift_left3A_77, %and3A_80 : vector<16xi32>
    %swap3A_82 = arith.constant 80 : index
    %swap3A_83 = tpu.vector_load %arg9[%swap3A_82] {strides = array<i32>} : memref<128xi32, #tpu.memory_space<vmem>>, vector<16xi32>,
    tpu.vector_store %arg9[%swap3A_82], %or3A_81 {strides = array<i32>} : memref<128xi32, #tpu.memory_space<vmem>>, vector<16xi32>,
    %get3A_84 = arith.constant 96 : index
    %get3A_85 = tpu.vector_load %arg8[%get3A_84] {strides = array<i32>} : memref<128xi32, #tpu.memory_space<vmem>>, vector<16xi32>,
    %shift_right_arithmetic3A_86 = arith.constant 12 : i32
    %shift_right_arithmetic3A_87 = vector.broadcast %shift_right_arithmetic3A_86 : i32 to vector<16xi32>
    %shift_right_arithmetic3A_88 = arith.shrsi %get3A_85, %shift_right_arithmetic3A_87 : vector<16xi32>
    %shift_left3A_89 = arith.constant 11 : i32
    %shift_left3A_90 = vector.broadcast %shift_left3A_89 : i32 to vector<16xi32>
    %shift_left3A_91 = arith.shli %shift_right_arithmetic3A_88, %shift_left3A_90 : vector<16xi32>
    %and3A_92 = arith.constant 2047 : i32
    %and3A_93 = vector.broadcast %and3A_92 : i32 to vector<16xi32>
    %and3A_94 = arith.andi %get3A_85, %and3A_93 : vector<16xi32>
    %or3A_95 = arith.ori %shift_left3A_91, %and3A_94 : vector<16xi32>
    %swap3A_96 = arith.constant 96 : index
    %swap3A_97 = tpu.vector_load %arg9[%swap3A_96] {strides = array<i32>} : memref<128xi32, #tpu.memory_space<vmem>>, vector<16xi32>,
    tpu.vector_store %arg9[%swap3A_96], %or3A_95 {strides = array<i32>} : memref<128xi32, #tpu.memory_space<vmem>>, vector<16xi32>,
    %get3A_98 = arith.constant 112 : index
    %get3A_99 = tpu.vector_load %arg8[%get3A_98] {strides = array<i32>} : memref<128xi32, #tpu.memory_space<vmem>>, vector<16xi32>,
    %shift_right_arithmetic3A_100 = arith.constant 12 : i32
    %shift_right_arithmetic3A_101 = vector.broadcast %shift_right_arithmetic3A_100 : i32 to vector<16xi32>
    %shift_right_arithmetic3A_102 = arith.shrsi %get3A_99, %shift_right_arithmetic3A_101 : vector<16xi32>
    %shift_left3A_103 = arith.constant 11 : i32
    %shift_left3A_104 = vector.broadcast %shift_left3A_103 : i32 to vector<16xi32>
    %shift_left3A_105 = arith.shli %shift_right_arithmetic3A_102, %shift_left3A_104 : vector<16xi32>
    %and3A_106 = arith.constant 2047 : i32
    %and3A_107 = vector.broadcast %and3A_106 : i32 to vector<16xi32>
    %and3A_108 = arith.andi %get3A_99, %and3A_107 : vector<16xi32>
    %or3A_109 = arith.ori %shift_left3A_105, %and3A_108 : vector<16xi32>
    %swap3A_110 = arith.constant 112 : index
    %swap3A_111 = tpu.vector_load %arg9[%swap3A_110] {strides = array<i32>} : memref<128xi32, #tpu.memory_space<vmem>>, vector<16xi32>,
    tpu.vector_store %arg9[%swap3A_110], %or3A_109 {strides = array<i32>} : memref<128xi32, #tpu.memory_space<vmem>>, vector<16xi32>,
    %dma_start3A = arith.constant 0 : i32
    %dma_start3A_112 = arith.constant 0 : i32
    %dma_start3A_113 = tpu.memref_slice %arg2[%dma_start3A, %dma_start3A_112] : memref<501760x128xf32, #tpu.memory_space<hbm>> -> memref<501760x128xf32, #tpu.memory_space<hbm>>
    tpu.enqueue_indirect_dma source(%dma_start3A_113 : memref<501760x128xf32, #tpu.memory_space<hbm>>) target(%arg10 : memref<128x128xf32, #tpu.memory_space<vmem>>) offsets(%arg9 : memref<128xi32, #tpu.memory_space<vmem>>) semaphore(%arg11 : memref<!tpu.dma_semaphore, #tpu.memory_space<semaphore_mem>>)
    %dma_wait3A = arith.constant 0 : i32
    %dma_wait3A_114 = arith.constant 0 : i32
    %dma_wait3A_115 = tpu.memref_slice %arg2[%dma_wait3A, %dma_wait3A_114] : memref<501760x128xf32, #tpu.memory_space<hbm>> -> memref<501760x128xf32, #tpu.memory_space<hbm>>
    tpu.wait_indirect_dma semaphore(%arg11 : memref<!tpu.dma_semaphore, #tpu.memory_space<semaphore_mem>>) src(%dma_wait3A_115 : memref<501760x128xf32, #tpu.memory_space<hbm>>) dst(%arg10 : memref<128x128xf32, #tpu.memory_space<vmem>>)
    "tpu.region"() ({
      %run_scoped3A = tpu.sem_alloc : memref<!tpu.dma_semaphore, #tpu.memory_space<semaphore_mem>>
      %dma_start3A_491 = arith.constant 0 : i32
      %dma_start3A_492 = tpu.memref_slice %arg6[%multiple_of3A, %dma_start3A_491] : memref<10240x128xf32, #tpu.memory_space<hbm>> -> memref<128x128xf32, #tpu.memory_space<hbm>>
      %dma_start3A_493 = arith.constant 0 : i32
      %dma_start3A_494 = tpu.memref_slice %arg6[%multiple_of3A, %dma_start3A_493] : memref<10240x128xf32, #tpu.memory_space<hbm>> -> memref<128x128xf32, #tpu.memory_space<hbm>>
      tpu.enqueue_dma source(%arg10 : memref<128x128xf32, #tpu.memory_space<vmem>>) target(%dma_start3A_494 : memref<128x128xf32, #tpu.memory_space<hbm>>) target_semaphore(%run_scoped3A : memref<!tpu.dma_semaphore, #tpu.memory_space<semaphore_mem>>)
      %dma_wait3A_495 = arith.constant 0 : i32
      %dma_wait3A_496 = tpu.memref_slice %arg6[%multiple_of3A, %dma_wait3A_495] : memref<10240x128xf32, #tpu.memory_space<hbm>> -> memref<128x128xf32, #tpu.memory_space<hbm>>
      %dma_wait3A_497 = arith.constant 0 : i32
      %dma_wait3A_498 = tpu.memref_slice %arg6[%multiple_of3A, %dma_wait3A_497] : memref<10240x128xf32, #tpu.memory_space<hbm>> -> memref<128x128xf32, #tpu.memory_space<hbm>>
      tpu.wait_dma2 semaphore(%run_scoped3A : memref<!tpu.dma_semaphore, #tpu.memory_space<semaphore_mem>>) src(%arg10 : memref<128x128xf32, #tpu.memory_space<vmem>>) dst(%dma_wait3A_498 : memref<128x128xf32, #tpu.memory_space<hbm>>)
      tpu.yield
    }) : () -> ()
    %add3A_116 = arith.constant 32 : i32
    %add3A_117 = arith.addi %add3A_116, %add3A : i32
    %rem3A_118 = arith.constant 80 : i32
    %rem3A_119 = arith.remsi %add3A_117, %rem3A_118 : i32
    %mul3A_120 = arith.constant 128 : i32
    %mul3A_121 = arith.muli %rem3A_119, %mul3A_120 : i32
    %multiple_of3A_122 = tpu.assume_multiple %mul3A_121, 128 : i32
    "tpu.region"() ({
      %run_scoped3A = tpu.sem_alloc : memref<!tpu.dma_semaphore, #tpu.memory_space<semaphore_mem>>
      %dma_start3A_491 = tpu.memref_slice %arg4[%multiple_of3A_122] : memref<10240xi32, #tpu.memory_space<hbm>> -> memref<128xi32, #tpu.memory_space<hbm>>
      %dma_start3A_492 = tpu.memref_slice %arg4[%multiple_of3A_122] : memref<10240xi32, #tpu.memory_space<hbm>> -> memref<128xi32, #tpu.memory_space<hbm>>
      tpu.enqueue_dma source(%dma_start3A_492 : memref<128xi32, #tpu.memory_space<hbm>>) target(%arg8 : memref<128xi32, #tpu.memory_space<vmem>>) target_semaphore(%run_scoped3A : memref<!tpu.dma_semaphore, #tpu.memory_space<semaphore_mem>>)
      %dma_wait3A_493 = tpu.memref_slice %arg4[%multiple_of3A_122] : memref<10240xi32, #tpu.memory_space<hbm>> -> memref<128xi32, #tpu.memory_space<hbm>>
      %dma_wait3A_494 = tpu.memref_slice %arg4[%multiple_of3A_122] : memref<10240xi32, #tpu.memory_space<hbm>> -> memref<128xi32, #tpu.memory_space<hbm>>
      tpu.wait_dma2 semaphore(%run_scoped3A : memref<!tpu.dma_semaphore, #tpu.memory_space<semaphore_mem>>) src(%dma_wait3A_494 : memref<128xi32, #tpu.memory_space<hbm>>) dst(%arg8 : memref<128xi32, #tpu.memory_space<vmem>>)
      tpu.yield
    }) : () -> ()
    %get3A_123 = arith.constant 0 : index
    %get3A_124 = tpu.vector_load %arg8[%get3A_123] {strides = array<i32>} : memref<128xi32, #tpu.memory_space<vmem>>, vector<16xi32>,
    %shift_right_arithmetic3A_125 = arith.constant 12 : i32
    %shift_right_arithmetic3A_126 = vector.broadcast %shift_right_arithmetic3A_125 : i32 to vector<16xi32>
    %shift_right_arithmetic3A_127 = arith.shrsi %get3A_124, %shift_right_arithmetic3A_126 : vector<16xi32>
    %shift_left3A_128 = arith.constant 11 : i32
    %shift_left3A_129 = vector.broadcast %shift_left3A_128 : i32 to vector<16xi32>
    %shift_left3A_130 = arith.shli %shift_right_arithmetic3A_127, %shift_left3A_129 : vector<16xi32>
    %and3A_131 = arith.constant 2047 : i32
    %and3A_132 = vector.broadcast %and3A_131 : i32 to vector<16xi32>
    %and3A_133 = arith.andi %get3A_124, %and3A_132 : vector<16xi32>
    %or3A_134 = arith.ori %shift_left3A_130, %and3A_133 : vector<16xi32>
    %swap3A_135 = arith.constant 0 : index
    %swap3A_136 = tpu.vector_load %arg9[%swap3A_135] {strides = array<i32>} : memref<128xi32, #tpu.memory_space<vmem>>, vector<16xi32>,
    tpu.vector_store %arg9[%swap3A_135], %or3A_134 {strides = array<i32>} : memref<128xi32, #tpu.memory_space<vmem>>, vector<16xi32>,
    %get3A_137 = arith.constant 16 : index
    %get3A_138 = tpu.vector_load %arg8[%get3A_137] {strides = array<i32>} : memref<128xi32, #tpu.memory_space<vmem>>, vector<16xi32>,
    %shift_right_arithmetic3A_139 = arith.constant 12 : i32
    %shift_right_arithmetic3A_140 = vector.broadcast %shift_right_arithmetic3A_139 : i32 to vector<16xi32>
    %shift_right_arithmetic3A_141 = arith.shrsi %get3A_138, %shift_right_arithmetic3A_140 : vector<16xi32>
    %shift_left3A_142 = arith.constant 11 : i32
    %shift_left3A_143 = vector.broadcast %shift_left3A_142 : i32 to vector<16xi32>
    %shift_left3A_144 = arith.shli %shift_right_arithmetic3A_141, %shift_left3A_143 : vector<16xi32>
    %and3A_145 = arith.constant 2047 : i32
    %and3A_146 = vector.broadcast %and3A_145 : i32 to vector<16xi32>
    %and3A_147 = arith.andi %get3A_138, %and3A_146 : vector<16xi32>
    %or3A_148 = arith.ori %shift_left3A_144, %and3A_147 : vector<16xi32>
    %swap3A_149 = arith.constant 16 : index
    %swap3A_150 = tpu.vector_load %arg9[%swap3A_149] {strides = array<i32>} : memref<128xi32, #tpu.memory_space<vmem>>, vector<16xi32>,
    tpu.vector_store %arg9[%swap3A_149], %or3A_148 {strides = array<i32>} : memref<128xi32, #tpu.memory_space<vmem>>, vector<16xi32>,
    %get3A_151 = arith.constant 32 : index
    %get3A_152 = tpu.vector_load %arg8[%get3A_151] {strides = array<i32>} : memref<128xi32, #tpu.memory_space<vmem>>, vector<16xi32>,
    %shift_right_arithmetic3A_153 = arith.constant 12 : i32
    %shift_right_arithmetic3A_154 = vector.broadcast %shift_right_arithmetic3A_153 : i32 to vector<16xi32>
    %shift_right_arithmetic3A_155 = arith.shrsi %get3A_152, %shift_right_arithmetic3A_154 : vector<16xi32>
    %shift_left3A_156 = arith.constant 11 : i32
    %shift_left3A_157 = vector.broadcast %shift_left3A_156 : i32 to vector<16xi32>
    %shift_left3A_158 = arith.shli %shift_right_arithmetic3A_155, %shift_left3A_157 : vector<16xi32>
    %and3A_159 = arith.constant 2047 : i32
    %and3A_160 = vector.broadcast %and3A_159 : i32 to vector<16xi32>
    %and3A_161 = arith.andi %get3A_152, %and3A_160 : vector<16xi32>
    %or3A_162 = arith.ori %shift_left3A_158, %and3A_161 : vector<16xi32>
    %swap3A_163 = arith.constant 32 : index
    %swap3A_164 = tpu.vector_load %arg9[%swap3A_163] {strides = array<i32>} : memref<128xi32, #tpu.memory_space<vmem>>, vector<16xi32>,
    tpu.vector_store %arg9[%swap3A_163], %or3A_162 {strides = array<i32>} : memref<128xi32, #tpu.memory_space<vmem>>, vector<16xi32>,
    %get3A_165 = arith.constant 48 : index
    %get3A_166 = tpu.vector_load %arg8[%get3A_165] {strides = array<i32>} : memref<128xi32, #tpu.memory_space<vmem>>, vector<16xi32>,
    %shift_right_arithmetic3A_167 = arith.constant 12 : i32
    %shift_right_arithmetic3A_168 = vector.broadcast %shift_right_arithmetic3A_167 : i32 to vector<16xi32>
    %shift_right_arithmetic3A_169 = arith.shrsi %get3A_166, %shift_right_arithmetic3A_168 : vector<16xi32>
    %shift_left3A_170 = arith.constant 11 : i32
    %shift_left3A_171 = vector.broadcast %shift_left3A_170 : i32 to vector<16xi32>
    %shift_left3A_172 = arith.shli %shift_right_arithmetic3A_169, %shift_left3A_171 : vector<16xi32>
    %and3A_173 = arith.constant 2047 : i32
    %and3A_174 = vector.broadcast %and3A_173 : i32 to vector<16xi32>
    %and3A_175 = arith.andi %get3A_166, %and3A_174 : vector<16xi32>
    %or3A_176 = arith.ori %shift_left3A_172, %and3A_175 : vector<16xi32>
    %swap3A_177 = arith.constant 48 : index
    %swap3A_178 = tpu.vector_load %arg9[%swap3A_177] {strides = array<i32>} : memref<128xi32, #tpu.memory_space<vmem>>, vector<16xi32>,
    tpu.vector_store %arg9[%swap3A_177], %or3A_176 {strides = array<i32>} : memref<128xi32, #tpu.memory_space<vmem>>, vector<16xi32>,
    %get3A_179 = arith.constant 64 : index
    %get3A_180 = tpu.vector_load %arg8[%get3A_179] {strides = array<i32>} : memref<128xi32, #tpu.memory_space<vmem>>, vector<16xi32>,
    %shift_right_arithmetic3A_181 = arith.constant 12 : i32
    %shift_right_arithmetic3A_182 = vector.broadcast %shift_right_arithmetic3A_181 : i32 to vector<16xi32>
    %shift_right_arithmetic3A_183 = arith.shrsi %get3A_180, %shift_right_arithmetic3A_182 : vector<16xi32>
    %shift_left3A_184 = arith.constant 11 : i32
    %shift_left3A_185 = vector.broadcast %shift_left3A_184 : i32 to vector<16xi32>
    %shift_left3A_186 = arith.shli %shift_right_arithmetic3A_183, %shift_left3A_185 : vector<16xi32>
    %and3A_187 = arith.constant 2047 : i32
    %and3A_188 = vector.broadcast %and3A_187 : i32 to vector<16xi32>
    %and3A_189 = arith.andi %get3A_180, %and3A_188 : vector<16xi32>
    %or3A_190 = arith.ori %shift_left3A_186, %and3A_189 : vector<16xi32>
    %swap3A_191 = arith.constant 64 : index
    %swap3A_192 = tpu.vector_load %arg9[%swap3A_191] {strides = array<i32>} : memref<128xi32, #tpu.memory_space<vmem>>, vector<16xi32>,
    tpu.vector_store %arg9[%swap3A_191], %or3A_190 {strides = array<i32>} : memref<128xi32, #tpu.memory_space<vmem>>, vector<16xi32>,
    %get3A_193 = arith.constant 80 : index
    %get3A_194 = tpu.vector_load %arg8[%get3A_193] {strides = array<i32>} : memref<128xi32, #tpu.memory_space<vmem>>, vector<16xi32>,
    %shift_right_arithmetic3A_195 = arith.constant 12 : i32
    %shift_right_arithmetic3A_196 = vector.broadcast %shift_right_arithmetic3A_195 : i32 to vector<16xi32>
    %shift_right_arithmetic3A_197 = arith.shrsi %get3A_194, %shift_right_arithmetic3A_196 : vector<16xi32>
    %shift_left3A_198 = arith.constant 11 : i32
    %shift_left3A_199 = vector.broadcast %shift_left3A_198 : i32 to vector<16xi32>
    %shift_left3A_200 = arith.shli %shift_right_arithmetic3A_197, %shift_left3A_199 : vector<16xi32>
    %and3A_201 = arith.constant 2047 : i32
    %and3A_202 = vector.broadcast %and3A_201 : i32 to vector<16xi32>
    %and3A_203 = arith.andi %get3A_194, %and3A_202 : vector<16xi32>
    %or3A_204 = arith.ori %shift_left3A_200, %and3A_203 : vector<16xi32>
    %swap3A_205 = arith.constant 80 : index
    %swap3A_206 = tpu.vector_load %arg9[%swap3A_205] {strides = array<i32>} : memref<128xi32, #tpu.memory_space<vmem>>, vector<16xi32>,
    tpu.vector_store %arg9[%swap3A_205], %or3A_204 {strides = array<i32>} : memref<128xi32, #tpu.memory_space<vmem>>, vector<16xi32>,
    %get3A_207 = arith.constant 96 : index
    %get3A_208 = tpu.vector_load %arg8[%get3A_207] {strides = array<i32>} : memref<128xi32, #tpu.memory_space<vmem>>, vector<16xi32>,
    %shift_right_arithmetic3A_209 = arith.constant 12 : i32
    %shift_right_arithmetic3A_210 = vector.broadcast %shift_right_arithmetic3A_209 : i32 to vector<16xi32>
    %shift_right_arithmetic3A_211 = arith.shrsi %get3A_208, %shift_right_arithmetic3A_210 : vector<16xi32>
    %shift_left3A_212 = arith.constant 11 : i32
    %shift_left3A_213 = vector.broadcast %shift_left3A_212 : i32 to vector<16xi32>
    %shift_left3A_214 = arith.shli %shift_right_arithmetic3A_211, %shift_left3A_213 : vector<16xi32>
    %and3A_215 = arith.constant 2047 : i32
    %and3A_216 = vector.broadcast %and3A_215 : i32 to vector<16xi32>
    %and3A_217 = arith.andi %get3A_208, %and3A_216 : vector<16xi32>
    %or3A_218 = arith.ori %shift_left3A_214, %and3A_217 : vector<16xi32>
    %swap3A_219 = arith.constant 96 : index
    %swap3A_220 = tpu.vector_load %arg9[%swap3A_219] {strides = array<i32>} : memref<128xi32, #tpu.memory_space<vmem>>, vector<16xi32>,
    tpu.vector_store %arg9[%swap3A_219], %or3A_218 {strides = array<i32>} : memref<128xi32, #tpu.memory_space<vmem>>, vector<16xi32>,
    %get3A_221 = arith.constant 112 : index
    %get3A_222 = tpu.vector_load %arg8[%get3A_221] {strides = array<i32>} : memref<128xi32, #tpu.memory_space<vmem>>, vector<16xi32>,
    %shift_right_arithmetic3A_223 = arith.constant 12 : i32
    %shift_right_arithmetic3A_224 = vector.broadcast %shift_right_arithmetic3A_223 : i32 to vector<16xi32>
    %shift_right_arithmetic3A_225 = arith.shrsi %get3A_222, %shift_right_arithmetic3A_224 : vector<16xi32>
    %shift_left3A_226 = arith.constant 11 : i32
    %shift_left3A_227 = vector.broadcast %shift_left3A_226 : i32 to vector<16xi32>
    %shift_left3A_228 = arith.shli %shift_right_arithmetic3A_225, %shift_left3A_227 : vector<16xi32>
    %and3A_229 = arith.constant 2047 : i32
    %and3A_230 = vector.broadcast %and3A_229 : i32 to vector<16xi32>
    %and3A_231 = arith.andi %get3A_222, %and3A_230 : vector<16xi32>
    %or3A_232 = arith.ori %shift_left3A_228, %and3A_231 : vector<16xi32>
    %swap3A_233 = arith.constant 112 : index
    %swap3A_234 = tpu.vector_load %arg9[%swap3A_233] {strides = array<i32>} : memref<128xi32, #tpu.memory_space<vmem>>, vector<16xi32>,
    tpu.vector_store %arg9[%swap3A_233], %or3A_232 {strides = array<i32>} : memref<128xi32, #tpu.memory_space<vmem>>, vector<16xi32>,
    %dma_start3A_235 = arith.constant 0 : i32
    %dma_start3A_236 = arith.constant 0 : i32
    %dma_start3A_237 = tpu.memref_slice %arg2[%dma_start3A_235, %dma_start3A_236] : memref<501760x128xf32, #tpu.memory_space<hbm>> -> memref<501760x128xf32, #tpu.memory_space<hbm>>
    tpu.enqueue_indirect_dma source(%dma_start3A_237 : memref<501760x128xf32, #tpu.memory_space<hbm>>) target(%arg10 : memref<128x128xf32, #tpu.memory_space<vmem>>) offsets(%arg9 : memref<128xi32, #tpu.memory_space<vmem>>) semaphore(%arg11 : memref<!tpu.dma_semaphore, #tpu.memory_space<semaphore_mem>>)
    %dma_wait3A_238 = arith.constant 0 : i32
    %dma_wait3A_239 = arith.constant 0 : i32
    %dma_wait3A_240 = tpu.memref_slice %arg2[%dma_wait3A_238, %dma_wait3A_239] : memref<501760x128xf32, #tpu.memory_space<hbm>> -> memref<501760x128xf32, #tpu.memory_space<hbm>>
    tpu.wait_indirect_dma semaphore(%arg11 : memref<!tpu.dma_semaphore, #tpu.memory_space<semaphore_mem>>) src(%dma_wait3A_240 : memref<501760x128xf32, #tpu.memory_space<hbm>>) dst(%arg10 : memref<128x128xf32, #tpu.memory_space<vmem>>)
    "tpu.region"() ({
      %run_scoped3A = tpu.sem_alloc : memref<!tpu.dma_semaphore, #tpu.memory_space<semaphore_mem>>
      %dma_start3A_491 = arith.constant 0 : i32
      %dma_start3A_492 = tpu.memref_slice %arg6[%multiple_of3A_122, %dma_start3A_491] : memref<10240x128xf32, #tpu.memory_space<hbm>> -> memref<128x128xf32, #tpu.memory_space<hbm>>
      %dma_start3A_493 = arith.constant 0 : i32
      %dma_start3A_494 = tpu.memref_slice %arg6[%multiple_of3A_122, %dma_start3A_493] : memref<10240x128xf32, #tpu.memory_space<hbm>> -> memref<128x128xf32, #tpu.memory_space<hbm>>
      tpu.enqueue_dma source(%arg10 : memref<128x128xf32, #tpu.memory_space<vmem>>) target(%dma_start3A_494 : memref<128x128xf32, #tpu.memory_space<hbm>>) target_semaphore(%run_scoped3A : memref<!tpu.dma_semaphore, #tpu.memory_space<semaphore_mem>>)
      %dma_wait3A_495 = arith.constant 0 : i32
      %dma_wait3A_496 = tpu.memref_slice %arg6[%multiple_of3A_122, %dma_wait3A_495] : memref<10240x128xf32, #tpu.memory_space<hbm>> -> memref<128x128xf32, #tpu.memory_space<hbm>>
      %dma_wait3A_497 = arith.constant 0 : i32
      %dma_wait3A_498 = tpu.memref_slice %arg6[%multiple_of3A_122, %dma_wait3A_497] : memref<10240x128xf32, #tpu.memory_space<hbm>> -> memref<128x128xf32, #tpu.memory_space<hbm>>
      tpu.wait_dma2 semaphore(%run_scoped3A : memref<!tpu.dma_semaphore, #tpu.memory_space<semaphore_mem>>) src(%arg10 : memref<128x128xf32, #tpu.memory_space<vmem>>) dst(%dma_wait3A_498 : memref<128x128xf32, #tpu.memory_space<hbm>>)
      tpu.yield
    }) : () -> ()
    %add3A_241 = arith.constant 64 : i32
    %add3A_242 = arith.addi %add3A_241, %add3A : i32
    %rem3A_243 = arith.constant 80 : i32
    %rem3A_244 = arith.remsi %add3A_242, %rem3A_243 : i32
    %mul3A_245 = arith.constant 128 : i32
    %mul3A_246 = arith.muli %rem3A_244, %mul3A_245 : i32
    %multiple_of3A_247 = tpu.assume_multiple %mul3A_246, 128 : i32
    "tpu.region"() ({
      %run_scoped3A = tpu.sem_alloc : memref<!tpu.dma_semaphore, #tpu.memory_space<semaphore_mem>>
      %dma_start3A_491 = tpu.memref_slice %arg4[%multiple_of3A_247] : memref<10240xi32, #tpu.memory_space<hbm>> -> memref<128xi32, #tpu.memory_space<hbm>>
      %dma_start3A_492 = tpu.memref_slice %arg4[%multiple_of3A_247] : memref<10240xi32, #tpu.memory_space<hbm>> -> memref<128xi32, #tpu.memory_space<hbm>>
      tpu.enqueue_dma source(%dma_start3A_492 : memref<128xi32, #tpu.memory_space<hbm>>) target(%arg8 : memref<128xi32, #tpu.memory_space<vmem>>) target_semaphore(%run_scoped3A : memref<!tpu.dma_semaphore, #tpu.memory_space<semaphore_mem>>)
      %dma_wait3A_493 = tpu.memref_slice %arg4[%multiple_of3A_247] : memref<10240xi32, #tpu.memory_space<hbm>> -> memref<128xi32, #tpu.memory_space<hbm>>
      %dma_wait3A_494 = tpu.memref_slice %arg4[%multiple_of3A_247] : memref<10240xi32, #tpu.memory_space<hbm>> -> memref<128xi32, #tpu.memory_space<hbm>>
      tpu.wait_dma2 semaphore(%run_scoped3A : memref<!tpu.dma_semaphore, #tpu.memory_space<semaphore_mem>>) src(%dma_wait3A_494 : memref<128xi32, #tpu.memory_space<hbm>>) dst(%arg8 : memref<128xi32, #tpu.memory_space<vmem>>)
      tpu.yield
    }) : () -> ()
    %get3A_248 = arith.constant 0 : index
    %get3A_249 = tpu.vector_load %arg8[%get3A_248] {strides = array<i32>} : memref<128xi32, #tpu.memory_space<vmem>>, vector<16xi32>,
    %shift_right_arithmetic3A_250 = arith.constant 12 : i32
    %shift_right_arithmetic3A_251 = vector.broadcast %shift_right_arithmetic3A_250 : i32 to vector<16xi32>
    %shift_right_arithmetic3A_252 = arith.shrsi %get3A_249, %shift_right_arithmetic3A_251 : vector<16xi32>
    %shift_left3A_253 = arith.constant 11 : i32
    %shift_left3A_254 = vector.broadcast %shift_left3A_253 : i32 to vector<16xi32>
    %shift_left3A_255 = arith.shli %shift_right_arithmetic3A_252, %shift_left3A_254 : vector<16xi32>
    %and3A_256 = arith.constant 2047 : i32
    %and3A_257 = vector.broadcast %and3A_256 : i32 to vector<16xi32>
    %and3A_258 = arith.andi %get3A_249, %and3A_257 : vector<16xi32>
    %or3A_259 = arith.ori %shift_left3A_255, %and3A_258 : vector<16xi32>
    %swap3A_260 = arith.constant 0 : index
    %swap3A_261 = tpu.vector_load %arg9[%swap3A_260] {strides = array<i32>} : memref<128xi32, #tpu.memory_space<vmem>>, vector<16xi32>,
    tpu.vector_store %arg9[%swap3A_260], %or3A_259 {strides = array<i32>} : memref<128xi32, #tpu.memory_space<vmem>>, vector<16xi32>,
    %get3A_262 = arith.constant 16 : index
    %get3A_263 = tpu.vector_load %arg8[%get3A_262] {strides = array<i32>} : memref<128xi32, #tpu.memory_space<vmem>>, vector<16xi32>,
    %shift_right_arithmetic3A_264 = arith.constant 12 : i32
    %shift_right_arithmetic3A_265 = vector.broadcast %shift_right_arithmetic3A_264 : i32 to vector<16xi32>
    %shift_right_arithmetic3A_266 = arith.shrsi %get3A_263, %shift_right_arithmetic3A_265 : vector<16xi32>
    %shift_left3A_267 = arith.constant 11 : i32
    %shift_left3A_268 = vector.broadcast %shift_left3A_267 : i32 to vector<16xi32>
    %shift_left3A_269 = arith.shli %shift_right_arithmetic3A_266, %shift_left3A_268 : vector<16xi32>
    %and3A_270 = arith.constant 2047 : i32
    %and3A_271 = vector.broadcast %and3A_270 : i32 to vector<16xi32>
    %and3A_272 = arith.andi %get3A_263, %and3A_271 : vector<16xi32>
    %or3A_273 = arith.ori %shift_left3A_269, %and3A_272 : vector<16xi32>
    %swap3A_274 = arith.constant 16 : index
    %swap3A_275 = tpu.vector_load %arg9[%swap3A_274] {strides = array<i32>} : memref<128xi32, #tpu.memory_space<vmem>>, vector<16xi32>,
    tpu.vector_store %arg9[%swap3A_274], %or3A_273 {strides = array<i32>} : memref<128xi32, #tpu.memory_space<vmem>>, vector<16xi32>,
    %get3A_276 = arith.constant 32 : index
    %get3A_277 = tpu.vector_load %arg8[%get3A_276] {strides = array<i32>} : memref<128xi32, #tpu.memory_space<vmem>>, vector<16xi32>,
    %shift_right_arithmetic3A_278 = arith.constant 12 : i32
    %shift_right_arithmetic3A_279 = vector.broadcast %shift_right_arithmetic3A_278 : i32 to vector<16xi32>
    %shift_right_arithmetic3A_280 = arith.shrsi %get3A_277, %shift_right_arithmetic3A_279 : vector<16xi32>
    %shift_left3A_281 = arith.constant 11 : i32
    %shift_left3A_282 = vector.broadcast %shift_left3A_281 : i32 to vector<16xi32>
    %shift_left3A_283 = arith.shli %shift_right_arithmetic3A_280, %shift_left3A_282 : vector<16xi32>
    %and3A_284 = arith.constant 2047 : i32
    %and3A_285 = vector.broadcast %and3A_284 : i32 to vector<16xi32>
    %and3A_286 = arith.andi %get3A_277, %and3A_285 : vector<16xi32>
    %or3A_287 = arith.ori %shift_left3A_283, %and3A_286 : vector<16xi32>
    %swap3A_288 = arith.constant 32 : index
    %swap3A_289 = tpu.vector_load %arg9[%swap3A_288] {strides = array<i32>} : memref<128xi32, #tpu.memory_space<vmem>>, vector<16xi32>,
    tpu.vector_store %arg9[%swap3A_288], %or3A_287 {strides = array<i32>} : memref<128xi32, #tpu.memory_space<vmem>>, vector<16xi32>,
    %get3A_290 = arith.constant 48 : index
    %get3A_291 = tpu.vector_load %arg8[%get3A_290] {strides = array<i32>} : memref<128xi32, #tpu.memory_space<vmem>>, vector<16xi32>,
    %shift_right_arithmetic3A_292 = arith.constant 12 : i32
    %shift_right_arithmetic3A_293 = vector.broadcast %shift_right_arithmetic3A_292 : i32 to vector<16xi32>
    %shift_right_arithmetic3A_294 = arith.shrsi %get3A_291, %shift_right_arithmetic3A_293 : vector<16xi32>
    %shift_left3A_295 = arith.constant 11 : i32
    %shift_left3A_296 = vector.broadcast %shift_left3A_295 : i32 to vector<16xi32>
    %shift_left3A_297 = arith.shli %shift_right_arithmetic3A_294, %shift_left3A_296 : vector<16xi32>
    %and3A_298 = arith.constant 2047 : i32
    %and3A_299 = vector.broadcast %and3A_298 : i32 to vector<16xi32>
    %and3A_300 = arith.andi %get3A_291, %and3A_299 : vector<16xi32>
    %or3A_301 = arith.ori %shift_left3A_297, %and3A_300 : vector<16xi32>
    %swap3A_302 = arith.constant 48 : index
    %swap3A_303 = tpu.vector_load %arg9[%swap3A_302] {strides = array<i32>} : memref<128xi32, #tpu.memory_space<vmem>>, vector<16xi32>,
    tpu.vector_store %arg9[%swap3A_302], %or3A_301 {strides = array<i32>} : memref<128xi32, #tpu.memory_space<vmem>>, vector<16xi32>,
    %get3A_304 = arith.constant 64 : index
    %get3A_305 = tpu.vector_load %arg8[%get3A_304] {strides = array<i32>} : memref<128xi32, #tpu.memory_space<vmem>>, vector<16xi32>,
    %shift_right_arithmetic3A_306 = arith.constant 12 : i32
    %shift_right_arithmetic3A_307 = vector.broadcast %shift_right_arithmetic3A_306 : i32 to vector<16xi32>
    %shift_right_arithmetic3A_308 = arith.shrsi %get3A_305, %shift_right_arithmetic3A_307 : vector<16xi32>
    %shift_left3A_309 = arith.constant 11 : i32
    %shift_left3A_310 = vector.broadcast %shift_left3A_309 : i32 to vector<16xi32>
    %shift_left3A_311 = arith.shli %shift_right_arithmetic3A_308, %shift_left3A_310 : vector<16xi32>
    %and3A_312 = arith.constant 2047 : i32
    %and3A_313 = vector.broadcast %and3A_312 : i32 to vector<16xi32>
    %and3A_314 = arith.andi %get3A_305, %and3A_313 : vector<16xi32>
    %or3A_315 = arith.ori %shift_left3A_311, %and3A_314 : vector<16xi32>
    %swap3A_316 = arith.constant 64 : index
    %swap3A_317 = tpu.vector_load %arg9[%swap3A_316] {strides = array<i32>} : memref<128xi32, #tpu.memory_space<vmem>>, vector<16xi32>,
    tpu.vector_store %arg9[%swap3A_316], %or3A_315 {strides = array<i32>} : memref<128xi32, #tpu.memory_space<vmem>>, vector<16xi32>,
    %get3A_318 = arith.constant 80 : index
    %get3A_319 = tpu.vector_load %arg8[%get3A_318] {strides = array<i32>} : memref<128xi32, #tpu.memory_space<vmem>>, vector<16xi32>,
    %shift_right_arithmetic3A_320 = arith.constant 12 : i32
    %shift_right_arithmetic3A_321 = vector.broadcast %shift_right_arithmetic3A_320 : i32 to vector<16xi32>
    %shift_right_arithmetic3A_322 = arith.shrsi %get3A_319, %shift_right_arithmetic3A_321 : vector<16xi32>
    %shift_left3A_323 = arith.constant 11 : i32
    %shift_left3A_324 = vector.broadcast %shift_left3A_323 : i32 to vector<16xi32>
    %shift_left3A_325 = arith.shli %shift_right_arithmetic3A_322, %shift_left3A_324 : vector<16xi32>
    %and3A_326 = arith.constant 2047 : i32
    %and3A_327 = vector.broadcast %and3A_326 : i32 to vector<16xi32>
    %and3A_328 = arith.andi %get3A_319, %and3A_327 : vector<16xi32>
    %or3A_329 = arith.ori %shift_left3A_325, %and3A_328 : vector<16xi32>
    %swap3A_330 = arith.constant 80 : index
    %swap3A_331 = tpu.vector_load %arg9[%swap3A_330] {strides = array<i32>} : memref<128xi32, #tpu.memory_space<vmem>>, vector<16xi32>,
    tpu.vector_store %arg9[%swap3A_330], %or3A_329 {strides = array<i32>} : memref<128xi32, #tpu.memory_space<vmem>>, vector<16xi32>,
    %get3A_332 = arith.constant 96 : index
    %get3A_333 = tpu.vector_load %arg8[%get3A_332] {strides = array<i32>} : memref<128xi32, #tpu.memory_space<vmem>>, vector<16xi32>,
    %shift_right_arithmetic3A_334 = arith.constant 12 : i32
    %shift_right_arithmetic3A_335 = vector.broadcast %shift_right_arithmetic3A_334 : i32 to vector<16xi32>
    %shift_right_arithmetic3A_336 = arith.shrsi %get3A_333, %shift_right_arithmetic3A_335 : vector<16xi32>
    %shift_left3A_337 = arith.constant 11 : i32
    %shift_left3A_338 = vector.broadcast %shift_left3A_337 : i32 to vector<16xi32>
    %shift_left3A_339 = arith.shli %shift_right_arithmetic3A_336, %shift_left3A_338 : vector<16xi32>
    %and3A_340 = arith.constant 2047 : i32
    %and3A_341 = vector.broadcast %and3A_340 : i32 to vector<16xi32>
    %and3A_342 = arith.andi %get3A_333, %and3A_341 : vector<16xi32>
    %or3A_343 = arith.ori %shift_left3A_339, %and3A_342 : vector<16xi32>
    %swap3A_344 = arith.constant 96 : index
    %swap3A_345 = tpu.vector_load %arg9[%swap3A_344] {strides = array<i32>} : memref<128xi32, #tpu.memory_space<vmem>>, vector<16xi32>,
    tpu.vector_store %arg9[%swap3A_344], %or3A_343 {strides = array<i32>} : memref<128xi32, #tpu.memory_space<vmem>>, vector<16xi32>,
    %get3A_346 = arith.constant 112 : index
    %get3A_347 = tpu.vector_load %arg8[%get3A_346] {strides = array<i32>} : memref<128xi32, #tpu.memory_space<vmem>>, vector<16xi32>,
    %shift_right_arithmetic3A_348 = arith.constant 12 : i32
    %shift_right_arithmetic3A_349 = vector.broadcast %shift_right_arithmetic3A_348 : i32 to vector<16xi32>
    %shift_right_arithmetic3A_350 = arith.shrsi %get3A_347, %shift_right_arithmetic3A_349 : vector<16xi32>
    %shift_left3A_351 = arith.constant 11 : i32
    %shift_left3A_352 = vector.broadcast %shift_left3A_351 : i32 to vector<16xi32>
    %shift_left3A_353 = arith.shli %shift_right_arithmetic3A_350, %shift_left3A_352 : vector<16xi32>
    %and3A_354 = arith.constant 2047 : i32
    %and3A_355 = vector.broadcast %and3A_354 : i32 to vector<16xi32>
    %and3A_356 = arith.andi %get3A_347, %and3A_355 : vector<16xi32>
    %or3A_357 = arith.ori %shift_left3A_353, %and3A_356 : vector<16xi32>
    %swap3A_358 = arith.constant 112 : index
    %swap3A_359 = tpu.vector_load %arg9[%swap3A_358] {strides = array<i32>} : memref<128xi32, #tpu.memory_space<vmem>>, vector<16xi32>,
    tpu.vector_store %arg9[%swap3A_358], %or3A_357 {strides = array<i32>} : memref<128xi32, #tpu.memory_space<vmem>>, vector<16xi32>,
    %dma_start3A_360 = arith.constant 0 : i32
    %dma_start3A_361 = arith.constant 0 : i32
    %dma_start3A_362 = tpu.memref_slice %arg2[%dma_start3A_360, %dma_start3A_361] : memref<501760x128xf32, #tpu.memory_space<hbm>> -> memref<501760x128xf32, #tpu.memory_space<hbm>>
    tpu.enqueue_indirect_dma source(%dma_start3A_362 : memref<501760x128xf32, #tpu.memory_space<hbm>>) target(%arg10 : memref<128x128xf32, #tpu.memory_space<vmem>>) offsets(%arg9 : memref<128xi32, #tpu.memory_space<vmem>>) semaphore(%arg11 : memref<!tpu.dma_semaphore, #tpu.memory_space<semaphore_mem>>)
    %dma_wait3A_363 = arith.constant 0 : i32
    %dma_wait3A_364 = arith.constant 0 : i32
    %dma_wait3A_365 = tpu.memref_slice %arg2[%dma_wait3A_363, %dma_wait3A_364] : memref<501760x128xf32, #tpu.memory_space<hbm>> -> memref<501760x128xf32, #tpu.memory_space<hbm>>
    tpu.wait_indirect_dma semaphore(%arg11 : memref<!tpu.dma_semaphore, #tpu.memory_space<semaphore_mem>>) src(%dma_wait3A_365 : memref<501760x128xf32, #tpu.memory_space<hbm>>) dst(%arg10 : memref<128x128xf32, #tpu.memory_space<vmem>>)
    "tpu.region"() ({
      %run_scoped3A = tpu.sem_alloc : memref<!tpu.dma_semaphore, #tpu.memory_space<semaphore_mem>>
      %dma_start3A_491 = arith.constant 0 : i32
      %dma_start3A_492 = tpu.memref_slice %arg6[%multiple_of3A_247, %dma_start3A_491] : memref<10240x128xf32, #tpu.memory_space<hbm>> -> memref<128x128xf32, #tpu.memory_space<hbm>>
      %dma_start3A_493 = arith.constant 0 : i32
      %dma_start3A_494 = tpu.memref_slice %arg6[%multiple_of3A_247, %dma_start3A_493] : memref<10240x128xf32, #tpu.memory_space<hbm>> -> memref<128x128xf32, #tpu.memory_space<hbm>>
      tpu.enqueue_dma source(%arg10 : memref<128x128xf32, #tpu.memory_space<vmem>>) target(%dma_start3A_494 : memref<128x128xf32, #tpu.memory_space<hbm>>) target_semaphore(%run_scoped3A : memref<!tpu.dma_semaphore, #tpu.memory_space<semaphore_mem>>)
      %dma_wait3A_495 = arith.constant 0 : i32
      %dma_wait3A_496 = tpu.memref_slice %arg6[%multiple_of3A_247, %dma_wait3A_495] : memref<10240x128xf32, #tpu.memory_space<hbm>> -> memref<128x128xf32, #tpu.memory_space<hbm>>
      %dma_wait3A_497 = arith.constant 0 : i32
      %dma_wait3A_498 = tpu.memref_slice %arg6[%multiple_of3A_247, %dma_wait3A_497] : memref<10240x128xf32, #tpu.memory_space<hbm>> -> memref<128x128xf32, #tpu.memory_space<hbm>>
      tpu.wait_dma2 semaphore(%run_scoped3A : memref<!tpu.dma_semaphore, #tpu.memory_space<semaphore_mem>>) src(%arg10 : memref<128x128xf32, #tpu.memory_space<vmem>>) dst(%dma_wait3A_498 : memref<128x128xf32, #tpu.memory_space<hbm>>)
      tpu.yield
    }) : () -> ()
    %add3A_366 = arith.constant 0 : i32
    %add3A_367 = arith.addi %add3A_366, %add3A : i32
    %rem3A_368 = arith.constant 32 : i32
    %rem3A_369 = arith.remsi %add3A_367, %rem3A_368 : i32
    %mul3A_370 = arith.constant 128 : i32
    %mul3A_371 = arith.muli %rem3A_369, %mul3A_370 : i32
    %multiple_of3A_372 = tpu.assume_multiple %mul3A_371, 128 : i32
    "tpu.region"() ({
      %run_scoped3A = tpu.sem_alloc : memref<!tpu.dma_semaphore, #tpu.memory_space<semaphore_mem>>
      %dma_start3A_491 = tpu.memref_slice %arg5[%multiple_of3A_372] : memref<4096xi32, #tpu.memory_space<hbm>> -> memref<128xi32, #tpu.memory_space<hbm>>
      %dma_start3A_492 = tpu.memref_slice %arg5[%multiple_of3A_372] : memref<4096xi32, #tpu.memory_space<hbm>> -> memref<128xi32, #tpu.memory_space<hbm>>
      tpu.enqueue_dma source(%dma_start3A_492 : memref<128xi32, #tpu.memory_space<hbm>>) target(%arg8 : memref<128xi32, #tpu.memory_space<vmem>>) target_semaphore(%run_scoped3A : memref<!tpu.dma_semaphore, #tpu.memory_space<semaphore_mem>>)
      %dma_wait3A_493 = tpu.memref_slice %arg5[%multiple_of3A_372] : memref<4096xi32, #tpu.memory_space<hbm>> -> memref<128xi32, #tpu.memory_space<hbm>>
      %dma_wait3A_494 = tpu.memref_slice %arg5[%multiple_of3A_372] : memref<4096xi32, #tpu.memory_space<hbm>> -> memref<128xi32, #tpu.memory_space<hbm>>
      tpu.wait_dma2 semaphore(%run_scoped3A : memref<!tpu.dma_semaphore, #tpu.memory_space<semaphore_mem>>) src(%dma_wait3A_494 : memref<128xi32, #tpu.memory_space<hbm>>) dst(%arg8 : memref<128xi32, #tpu.memory_space<vmem>>)
      tpu.yield
    }) : () -> ()
    %get3A_373 = arith.constant 0 : index
    %get3A_374 = tpu.vector_load %arg8[%get3A_373] {strides = array<i32>} : memref<128xi32, #tpu.memory_space<vmem>>, vector<16xi32>,
    %shift_right_arithmetic3A_375 = arith.constant 10 : i32
    %shift_right_arithmetic3A_376 = vector.broadcast %shift_right_arithmetic3A_375 : i32 to vector<16xi32>
    %shift_right_arithmetic3A_377 = arith.shrsi %get3A_374, %shift_right_arithmetic3A_376 : vector<16xi32>
    %shift_left3A_378 = arith.constant 9 : i32
    %shift_left3A_379 = vector.broadcast %shift_left3A_378 : i32 to vector<16xi32>
    %shift_left3A_380 = arith.shli %shift_right_arithmetic3A_377, %shift_left3A_379 : vector<16xi32>
    %and3A_381 = arith.constant 511 : i32
    %and3A_382 = vector.broadcast %and3A_381 : i32 to vector<16xi32>
    %and3A_383 = arith.andi %get3A_374, %and3A_382 : vector<16xi32>
    %or3A_384 = arith.ori %shift_left3A_380, %and3A_383 : vector<16xi32>
    %swap3A_385 = arith.constant 0 : index
    %swap3A_386 = tpu.vector_load %arg9[%swap3A_385] {strides = array<i32>} : memref<128xi32, #tpu.memory_space<vmem>>, vector<16xi32>,
    tpu.vector_store %arg9[%swap3A_385], %or3A_384 {strides = array<i32>} : memref<128xi32, #tpu.memory_space<vmem>>, vector<16xi32>,
    %get3A_387 = arith.constant 16 : index
    %get3A_388 = tpu.vector_load %arg8[%get3A_387] {strides = array<i32>} : memref<128xi32, #tpu.memory_space<vmem>>, vector<16xi32>,
    %shift_right_arithmetic3A_389 = arith.constant 10 : i32
    %shift_right_arithmetic3A_390 = vector.broadcast %shift_right_arithmetic3A_389 : i32 to vector<16xi32>
    %shift_right_arithmetic3A_391 = arith.shrsi %get3A_388, %shift_right_arithmetic3A_390 : vector<16xi32>
    %shift_left3A_392 = arith.constant 9 : i32
    %shift_left3A_393 = vector.broadcast %shift_left3A_392 : i32 to vector<16xi32>
    %shift_left3A_394 = arith.shli %shift_right_arithmetic3A_391, %shift_left3A_393 : vector<16xi32>
    %and3A_395 = arith.constant 511 : i32
    %and3A_396 = vector.broadcast %and3A_395 : i32 to vector<16xi32>
    %and3A_397 = arith.andi %get3A_388, %and3A_396 : vector<16xi32>
    %or3A_398 = arith.ori %shift_left3A_394, %and3A_397 : vector<16xi32>
    %swap3A_399 = arith.constant 16 : index
    %swap3A_400 = tpu.vector_load %arg9[%swap3A_399] {strides = array<i32>} : memref<128xi32, #tpu.memory_space<vmem>>, vector<16xi32>,
    tpu.vector_store %arg9[%swap3A_399], %or3A_398 {strides = array<i32>} : memref<128xi32, #tpu.memory_space<vmem>>, vector<16xi32>,
    %get3A_401 = arith.constant 32 : index
    %get3A_402 = tpu.vector_load %arg8[%get3A_401] {strides = array<i32>} : memref<128xi32, #tpu.memory_space<vmem>>, vector<16xi32>,
    %shift_right_arithmetic3A_403 = arith.constant 10 : i32
    %shift_right_arithmetic3A_404 = vector.broadcast %shift_right_arithmetic3A_403 : i32 to vector<16xi32>
    %shift_right_arithmetic3A_405 = arith.shrsi %get3A_402, %shift_right_arithmetic3A_404 : vector<16xi32>
    %shift_left3A_406 = arith.constant 9 : i32
    %shift_left3A_407 = vector.broadcast %shift_left3A_406 : i32 to vector<16xi32>
    %shift_left3A_408 = arith.shli %shift_right_arithmetic3A_405, %shift_left3A_407 : vector<16xi32>
    %and3A_409 = arith.constant 511 : i32
    %and3A_410 = vector.broadcast %and3A_409 : i32 to vector<16xi32>
    %and3A_411 = arith.andi %get3A_402, %and3A_410 : vector<16xi32>
    %or3A_412 = arith.ori %shift_left3A_408, %and3A_411 : vector<16xi32>
    %swap3A_413 = arith.constant 32 : index
    %swap3A_414 = tpu.vector_load %arg9[%swap3A_413] {strides = array<i32>} : memref<128xi32, #tpu.memory_space<vmem>>, vector<16xi32>,
    tpu.vector_store %arg9[%swap3A_413], %or3A_412 {strides = array<i32>} : memref<128xi32, #tpu.memory_space<vmem>>, vector<16xi32>,
    %get3A_415 = arith.constant 48 : index
    %get3A_416 = tpu.vector_load %arg8[%get3A_415] {strides = array<i32>} : memref<128xi32, #tpu.memory_space<vmem>>, vector<16xi32>,
    %shift_right_arithmetic3A_417 = arith.constant 10 : i32
    %shift_right_arithmetic3A_418 = vector.broadcast %shift_right_arithmetic3A_417 : i32 to vector<16xi32>
    %shift_right_arithmetic3A_419 = arith.shrsi %get3A_416, %shift_right_arithmetic3A_418 : vector<16xi32>
    %shift_left3A_420 = arith.constant 9 : i32
    %shift_left3A_421 = vector.broadcast %shift_left3A_420 : i32 to vector<16xi32>
    %shift_left3A_422 = arith.shli %shift_right_arithmetic3A_419, %shift_left3A_421 : vector<16xi32>
    %and3A_423 = arith.constant 511 : i32
    %and3A_424 = vector.broadcast %and3A_423 : i32 to vector<16xi32>
    %and3A_425 = arith.andi %get3A_416, %and3A_424 : vector<16xi32>
    %or3A_426 = arith.ori %shift_left3A_422, %and3A_425 : vector<16xi32>
    %swap3A_427 = arith.constant 48 : index
    %swap3A_428 = tpu.vector_load %arg9[%swap3A_427] {strides = array<i32>} : memref<128xi32, #tpu.memory_space<vmem>>, vector<16xi32>,
    tpu.vector_store %arg9[%swap3A_427], %or3A_426 {strides = array<i32>} : memref<128xi32, #tpu.memory_space<vmem>>, vector<16xi32>,
    %get3A_429 = arith.constant 64 : index
    %get3A_430 = tpu.vector_load %arg8[%get3A_429] {strides = array<i32>} : memref<128xi32, #tpu.memory_space<vmem>>, vector<16xi32>,
    %shift_right_arithmetic3A_431 = arith.constant 10 : i32
    %shift_right_arithmetic3A_432 = vector.broadcast %shift_right_arithmetic3A_431 : i32 to vector<16xi32>
    %shift_right_arithmetic3A_433 = arith.shrsi %get3A_430, %shift_right_arithmetic3A_432 : vector<16xi32>
    %shift_left3A_434 = arith.constant 9 : i32
    %shift_left3A_435 = vector.broadcast %shift_left3A_434 : i32 to vector<16xi32>
    %shift_left3A_436 = arith.shli %shift_right_arithmetic3A_433, %shift_left3A_435 : vector<16xi32>
    %and3A_437 = arith.constant 511 : i32
    %and3A_438 = vector.broadcast %and3A_437 : i32 to vector<16xi32>
    %and3A_439 = arith.andi %get3A_430, %and3A_438 : vector<16xi32>
    %or3A_440 = arith.ori %shift_left3A_436, %and3A_439 : vector<16xi32>
    %swap3A_441 = arith.constant 64 : index
    %swap3A_442 = tpu.vector_load %arg9[%swap3A_441] {strides = array<i32>} : memref<128xi32, #tpu.memory_space<vmem>>, vector<16xi32>,
    tpu.vector_store %arg9[%swap3A_441], %or3A_440 {strides = array<i32>} : memref<128xi32, #tpu.memory_space<vmem>>, vector<16xi32>,
    %get3A_443 = arith.constant 80 : index
    %get3A_444 = tpu.vector_load %arg8[%get3A_443] {strides = array<i32>} : memref<128xi32, #tpu.memory_space<vmem>>, vector<16xi32>,
    %shift_right_arithmetic3A_445 = arith.constant 10 : i32
    %shift_right_arithmetic3A_446 = vector.broadcast %shift_right_arithmetic3A_445 : i32 to vector<16xi32>
    %shift_right_arithmetic3A_447 = arith.shrsi %get3A_444, %shift_right_arithmetic3A_446 : vector<16xi32>
    %shift_left3A_448 = arith.constant 9 : i32
    %shift_left3A_449 = vector.broadcast %shift_left3A_448 : i32 to vector<16xi32>
    %shift_left3A_450 = arith.shli %shift_right_arithmetic3A_447, %shift_left3A_449 : vector<16xi32>
    %and3A_451 = arith.constant 511 : i32
    %and3A_452 = vector.broadcast %and3A_451 : i32 to vector<16xi32>
    %and3A_453 = arith.andi %get3A_444, %and3A_452 : vector<16xi32>
    %or3A_454 = arith.ori %shift_left3A_450, %and3A_453 : vector<16xi32>
    %swap3A_455 = arith.constant 80 : index
    %swap3A_456 = tpu.vector_load %arg9[%swap3A_455] {strides = array<i32>} : memref<128xi32, #tpu.memory_space<vmem>>, vector<16xi32>,
    tpu.vector_store %arg9[%swap3A_455], %or3A_454 {strides = array<i32>} : memref<128xi32, #tpu.memory_space<vmem>>, vector<16xi32>,
    %get3A_457 = arith.constant 96 : index
    %get3A_458 = tpu.vector_load %arg8[%get3A_457] {strides = array<i32>} : memref<128xi32, #tpu.memory_space<vmem>>, vector<16xi32>,
    %shift_right_arithmetic3A_459 = arith.constant 10 : i32
    %shift_right_arithmetic3A_460 = vector.broadcast %shift_right_arithmetic3A_459 : i32 to vector<16xi32>
    %shift_right_arithmetic3A_461 = arith.shrsi %get3A_458, %shift_right_arithmetic3A_460 : vector<16xi32>
    %shift_left3A_462 = arith.constant 9 : i32
    %shift_left3A_463 = vector.broadcast %shift_left3A_462 : i32 to vector<16xi32>
    %shift_left3A_464 = arith.shli %shift_right_arithmetic3A_461, %shift_left3A_463 : vector<16xi32>
    %and3A_465 = arith.constant 511 : i32
    %and3A_466 = vector.broadcast %and3A_465 : i32 to vector<16xi32>
    %and3A_467 = arith.andi %get3A_458, %and3A_466 : vector<16xi32>
    %or3A_468 = arith.ori %shift_left3A_464, %and3A_467 : vector<16xi32>
    %swap3A_469 = arith.constant 96 : index
    %swap3A_470 = tpu.vector_load %arg9[%swap3A_469] {strides = array<i32>} : memref<128xi32, #tpu.memory_space<vmem>>, vector<16xi32>,
    tpu.vector_store %arg9[%swap3A_469], %or3A_468 {strides = array<i32>} : memref<128xi32, #tpu.memory_space<vmem>>, vector<16xi32>,
    %get3A_471 = arith.constant 112 : index
    %get3A_472 = tpu.vector_load %arg8[%get3A_471] {strides = array<i32>} : memref<128xi32, #tpu.memory_space<vmem>>, vector<16xi32>,
    %shift_right_arithmetic3A_473 = arith.constant 10 : i32
    %shift_right_arithmetic3A_474 = vector.broadcast %shift_right_arithmetic3A_473 : i32 to vector<16xi32>
    %shift_right_arithmetic3A_475 = arith.shrsi %get3A_472, %shift_right_arithmetic3A_474 : vector<16xi32>
    %shift_left3A_476 = arith.constant 9 : i32
    %shift_left3A_477 = vector.broadcast %shift_left3A_476 : i32 to vector<16xi32>
    %shift_left3A_478 = arith.shli %shift_right_arithmetic3A_475, %shift_left3A_477 : vector<16xi32>
    %and3A_479 = arith.constant 511 : i32
    %and3A_480 = vector.broadcast %and3A_479 : i32 to vector<16xi32>
    %and3A_481 = arith.andi %get3A_472, %and3A_480 : vector<16xi32>
    %or3A_482 = arith.ori %shift_left3A_478, %and3A_481 : vector<16xi32>
    %swap3A_483 = arith.constant 112 : index
    %swap3A_484 = tpu.vector_load %arg9[%swap3A_483] {strides = array<i32>} : memref<128xi32, #tpu.memory_space<vmem>>, vector<16xi32>,
    tpu.vector_store %arg9[%swap3A_483], %or3A_482 {strides = array<i32>} : memref<128xi32, #tpu.memory_space<vmem>>, vector<16xi32>,
    %dma_start3A_485 = arith.constant 0 : i32
    %dma_start3A_486 = arith.constant 0 : i32
    %dma_start3A_487 = tpu.memref_slice %arg3[%dma_start3A_485, %dma_start3A_486] : memref<512x128xf32, #tpu.memory_space<hbm>> -> memref<512x128xf32, #tpu.memory_space<hbm>>
    tpu.enqueue_indirect_dma source(%dma_start3A_487 : memref<512x128xf32, #tpu.memory_space<hbm>>) target(%arg10 : memref<128x128xf32, #tpu.memory_space<vmem>>) offsets(%arg9 : memref<128xi32, #tpu.memory_space<vmem>>) semaphore(%arg11 : memref<!tpu.dma_semaphore, #tpu.memory_space<semaphore_mem>>)
    %dma_wait3A_488 = arith.constant 0 : i32
    %dma_wait3A_489 = arith.constant 0 : i32
    %dma_wait3A_490 = tpu.memref_slice %arg3[%dma_wait3A_488, %dma_wait3A_489] : memref<512x128xf32, #tpu.memory_space<hbm>> -> memref<512x128xf32, #tpu.memory_space<hbm>>
    tpu.wait_indirect_dma semaphore(%arg11 : memref<!tpu.dma_semaphore, #tpu.memory_space<semaphore_mem>>) src(%dma_wait3A_490 : memref<512x128xf32, #tpu.memory_space<hbm>>) dst(%arg10 : memref<128x128xf32, #tpu.memory_space<vmem>>)
    "tpu.region"() ({
      %run_scoped3A = tpu.sem_alloc : memref<!tpu.dma_semaphore, #tpu.memory_space<semaphore_mem>>
      %dma_start3A_491 = arith.constant 0 : i32
      %dma_start3A_492 = tpu.memref_slice %arg7[%multiple_of3A_372, %dma_start3A_491] : memref<4096x128xf32, #tpu.memory_space<hbm>> -> memref<128x128xf32, #tpu.memory_space<hbm>>
      %dma_start3A_493 = arith.constant 0 : i32
      %dma_start3A_494 = tpu.memref_slice %arg7[%multiple_of3A_372, %dma_start3A_493] : memref<4096x128xf32, #tpu.memory_space<hbm>> -> memref<128x128xf32, #tpu.memory_space<hbm>>
      tpu.enqueue_dma source(%arg10 : memref<128x128xf32, #tpu.memory_space<vmem>>) target(%dma_start3A_494 : memref<128x128xf32, #tpu.memory_space<hbm>>) target_semaphore(%run_scoped3A : memref<!tpu.dma_semaphore, #tpu.memory_space<semaphore_mem>>)
      %dma_wait3A_495 = arith.constant 0 : i32
      %dma_wait3A_496 = tpu.memref_slice %arg7[%multiple_of3A_372, %dma_wait3A_495] : memref<4096x128xf32, #tpu.memory_space<hbm>> -> memref<128x128xf32, #tpu.memory_space<hbm>>
      %dma_wait3A_497 = arith.constant 0 : i32
      %dma_wait3A_498 = tpu.memref_slice %arg7[%multiple_of3A_372, %dma_wait3A_497] : memref<4096x128xf32, #tpu.memory_space<hbm>> -> memref<128x128xf32, #tpu.memory_space<hbm>>
      tpu.wait_dma2 semaphore(%run_scoped3A : memref<!tpu.dma_semaphore, #tpu.memory_space<semaphore_mem>>) src(%arg10 : memref<128x128xf32, #tpu.memory_space<vmem>>) dst(%dma_wait3A_498 : memref<128x128xf32, #tpu.memory_space<hbm>>)
      tpu.yield
    }) : () -> ()
    return
  }
}

module attributes {stable_mosaic.version = 14 : i64} {
  func.func @body(%arg0: i32, %arg1: memref<8x8x1024xf32, #tpu.memory_space<vmem>>, %arg2: memref<512x128xf32, #tpu.memory_space<vmem>>) attributes {dimension_semantics = [#tpu.dimension_semantics<arbitrary>], iteration_bounds = array<i64: 1>, scalar_prefetch = 0 : i64, scratch_operands = 0 : i64, tpu.core_type = #tpu.core_type<tc>, window_params = [{transform_indices = @transform_0, window_bounds = array<i64: 8, 8, 1024>}, {transform_indices = @transform_1, window_bounds = array<i64: 512, 128>}]} {
    %get3A = arith.constant 0 : index
    %get3A_0 = arith.constant 0 : index
    %get3A_1 = arith.constant 0 : index
    %get3A_2 = vector.load %arg1[%get3A, %get3A_0, %get3A_1] : memref<8x8x1024xf32, #tpu.memory_space<vmem>>, vector<8x8x1024xf32>
    %reshape3A = vector.shape_cast %get3A_2 : vector<8x8x1024xf32> to vector<64x1024xf32>
    %slice3A = vector.extract_strided_slice %reshape3A {offsets = [0, 0], sizes = [64, 512], strides = [1, 1]} : vector<64x1024xf32> to vector<64x512xf32>
    %transpose3A = tpu.transpose %slice3A, [1, 0] : vector<64x512xf32> -> vector<512x64xf32>
    %swap3A = arith.constant 0 : index
    %swap3A_3 = arith.constant 0 : index
    %swap3A_4 = vector.load %arg2[%swap3A, %swap3A_3] : memref<512x128xf32, #tpu.memory_space<vmem>>, vector<512x64xf32>
    tpu.vector_store %arg2[%swap3A, %swap3A_3], %transpose3A {strides = array<i32>} : memref<512x128xf32, #tpu.memory_space<vmem>>, vector<512x64xf32>,
    %slice3A_5 = vector.extract_strided_slice %reshape3A {offsets = [0, 512], sizes = [64, 512], strides = [1, 1]} : vector<64x1024xf32> to vector<64x512xf32>
    %transpose3A_6 = tpu.transpose %slice3A_5, [1, 0] : vector<64x512xf32> -> vector<512x64xf32>
    %swap3A_7 = arith.constant 0 : index
    %swap3A_8 = arith.constant 64 : index
    %swap3A_9 = vector.load %arg2[%swap3A_7, %swap3A_8] : memref<512x128xf32, #tpu.memory_space<vmem>>, vector<512x64xf32>
    tpu.vector_store %arg2[%swap3A_7, %swap3A_8], %transpose3A_6 {strides = array<i32>} : memref<512x128xf32, #tpu.memory_space<vmem>>, vector<512x64xf32>,
    return
  }
  func.func @transform_0(%arg0: i32) -> (i32, i32, i32) {
    %c0_i32 = arith.constant 0 : i32
    %c0_i32_0 = arith.constant 0 : i32
    %c0_i32_1 = arith.constant 0 : i32
    return %c0_i32, %c0_i32_0, %arg0 : i32, i32, i32
  }
  func.func @transform_1(%arg0: i32) -> (i32, i32) {
    %c0_i32 = arith.constant 0 : i32
    %c0_i32_0 = arith.constant 0 : i32
    return %arg0, %c0_i32 : i32, i32
  }
}

module attributes {stable_mosaic.version = 14 : i64} {
  func.func @body(%arg0: i32, %arg1: memref<8x8x4096xf32, #tpu.memory_space<vmem>>, %arg2: memref<2048x128xf32, #tpu.memory_space<vmem>>) attributes {dimension_semantics = [#tpu.dimension_semantics<arbitrary>], iteration_bounds = array<i64: 245>, scalar_prefetch = 0 : i64, scratch_operands = 0 : i64, tpu.core_type = #tpu.core_type<tc>, window_params = [{transform_indices = @transform_0, window_bounds = array<i64: 8, 8, 4096>}, {transform_indices = @transform_1, window_bounds = array<i64: 2048, 128>}]} {
    %get3A = arith.constant 0 : index
    %get3A_0 = arith.constant 0 : index
    %get3A_1 = arith.constant 0 : index
    %get3A_2 = vector.load %arg1[%get3A, %get3A_0, %get3A_1] : memref<8x8x4096xf32, #tpu.memory_space<vmem>>, vector<8x8x4096xf32>
    %reshape3A = vector.shape_cast %get3A_2 : vector<8x8x4096xf32> to vector<64x4096xf32>
    %slice3A = vector.extract_strided_slice %reshape3A {offsets = [0, 0], sizes = [64, 2048], strides = [1, 1]} : vector<64x4096xf32> to vector<64x2048xf32>
    %transpose3A = tpu.transpose %slice3A, [1, 0] : vector<64x2048xf32> -> vector<2048x64xf32>
    %swap3A = arith.constant 0 : index
    %swap3A_3 = arith.constant 0 : index
    %swap3A_4 = vector.load %arg2[%swap3A, %swap3A_3] : memref<2048x128xf32, #tpu.memory_space<vmem>>, vector<2048x64xf32>
    tpu.vector_store %arg2[%swap3A, %swap3A_3], %transpose3A {strides = array<i32>} : memref<2048x128xf32, #tpu.memory_space<vmem>>, vector<2048x64xf32>,
    %slice3A_5 = vector.extract_strided_slice %reshape3A {offsets = [0, 2048], sizes = [64, 2048], strides = [1, 1]} : vector<64x4096xf32> to vector<64x2048xf32>
    %transpose3A_6 = tpu.transpose %slice3A_5, [1, 0] : vector<64x2048xf32> -> vector<2048x64xf32>
    %swap3A_7 = arith.constant 0 : index
    %swap3A_8 = arith.constant 64 : index
    %swap3A_9 = vector.load %arg2[%swap3A_7, %swap3A_8] : memref<2048x128xf32, #tpu.memory_space<vmem>>, vector<2048x64xf32>
    tpu.vector_store %arg2[%swap3A_7, %swap3A_8], %transpose3A_6 {strides = array<i32>} : memref<2048x128xf32, #tpu.memory_space<vmem>>, vector<2048x64xf32>,
    return
  }
  func.func @transform_0(%arg0: i32) -> (i32, i32, i32) {
    %c0_i32 = arith.constant 0 : i32
    %c0_i32_0 = arith.constant 0 : i32
    %c0_i32_1 = arith.constant 0 : i32
    return %c0_i32, %c0_i32_0, %arg0 : i32, i32, i32
  }
  func.func @transform_1(%arg0: i32) -> (i32, i32) {
    %c0_i32 = arith.constant 0 : i32
    %c0_i32_0 = arith.constant 0 : i32
    return %arg0, %c0_i32 : i32, i32
  }
}

module attributes {stable_mosaic.version = 14 : i64} {
  func.func @body(%arg0: i32, %arg1: memref<512x128xf32, #tpu.memory_space<vmem>>, %arg2: memref<512x128xf32, #tpu.memory_space<vmem>>, %arg3: memref<2048x128xf32, #tpu.memory_space<vmem>>, %arg4: memref<512x128xf32, #tpu.memory_space<vmem>>, %arg5: memref<512x1xf32, #tpu.memory_space<vmem>>, %arg6: memref<512x1xf32, #tpu.memory_space<vmem>>, %arg7: memref<2048x1xf32, #tpu.memory_space<vmem>>, %arg8: memref<512x1xf32, #tpu.memory_space<vmem>>, %arg9: memref<512xf32, #tpu.memory_space<vmem>>, %arg10: memref<512x2048xf32, #tpu.memory_space<vmem>>, %arg11: memref<512xf32, #tpu.memory_space<vmem>>, %arg12: memref<1x1xf32, #tpu.memory_space<smem>>) attributes {dimension_semantics = [#tpu.dimension_semantics<arbitrary>], iteration_bounds = array<i64: 8>, scalar_prefetch = 0 : i64, scratch_operands = 0 : i64, tpu.core_type = #tpu.core_type<tc>, window_params = [{transform_indices = @transform_0, window_bounds = array<i64: 512, 128>}, {transform_indices = @transform_1, window_bounds = array<i64: 512, 128>}, {transform_indices = @transform_2, window_bounds = array<i64: 2048, 128>}, {transform_indices = @transform_3, window_bounds = array<i64: 512, 128>}, {transform_indices = @transform_4, window_bounds = array<i64: 512, 1>}, {transform_indices = @transform_5, window_bounds = array<i64: 512, 1>}, {transform_indices = @transform_6, window_bounds = array<i64: 2048, 1>}, {transform_indices = @transform_7, window_bounds = array<i64: 512, 1>}, {transform_indices = @transform_8, window_bounds = array<i64: 512>}, {transform_indices = @transform_9, window_bounds = array<i64: 512, 2048>}, {transform_indices = @transform_10, window_bounds = array<i64: 512>}, {transform_indices = @transform_11, window_bounds = array<i64: 1, 1>}]} {
    %get3A = arith.constant 0 : index
    %get3A_0 = arith.constant 0 : index
    %get3A_1 = vector.load %arg1[%get3A, %get3A_0] : memref<512x128xf32, #tpu.memory_space<vmem>>, vector<512x128xf32>
    %get3A_2 = arith.constant 0 : index
    %get3A_3 = arith.constant 0 : index
    %get3A_4 = vector.load %arg5[%get3A_2, %get3A_3] : memref<512x1xf32, #tpu.memory_space<vmem>>, vector<512x1xf32>
    %slice3A = vector.extract_strided_slice %get3A_1 {offsets = [0, 0], sizes = [512, 64], strides = [1, 1]} : vector<512x128xf32> to vector<512x64xf32>
    %slice3A_5 = vector.extract_strided_slice %get3A_1 {offsets = [0, 64], sizes = [512, 64], strides = [1, 1]} : vector<512x128xf32> to vector<512x64xf32>
    %slice3A_6 = vector.extract_strided_slice %get3A_1 {offsets = [0, 0], sizes = [512, 64], strides = [1, 1]} : vector<512x128xf32> to vector<512x64xf32>
    %sub3A = arith.subf %slice3A_5, %slice3A_6 : vector<512x64xf32>
    %mul3A = vector.broadcast %get3A_4 : vector<512x1xf32> to vector<512x64xf32>
    %mul3A_7 = arith.mulf %sub3A, %mul3A : vector<512x64xf32>
    %add3A = arith.addf %slice3A, %mul3A_7 : vector<512x64xf32>
    %get3A_8 = arith.constant 0 : index
    %get3A_9 = arith.constant 0 : index
    %get3A_10 = vector.load %arg2[%get3A_8, %get3A_9] : memref<512x128xf32, #tpu.memory_space<vmem>>, vector<512x128xf32>
    %get3A_11 = arith.constant 0 : index
    %get3A_12 = arith.constant 0 : index
    %get3A_13 = vector.load %arg6[%get3A_11, %get3A_12] : memref<512x1xf32, #tpu.memory_space<vmem>>, vector<512x1xf32>
    %slice3A_14 = vector.extract_strided_slice %get3A_10 {offsets = [0, 0], sizes = [512, 64], strides = [1, 1]} : vector<512x128xf32> to vector<512x64xf32>
    %slice3A_15 = vector.extract_strided_slice %get3A_10 {offsets = [0, 64], sizes = [512, 64], strides = [1, 1]} : vector<512x128xf32> to vector<512x64xf32>
    %slice3A_16 = vector.extract_strided_slice %get3A_10 {offsets = [0, 0], sizes = [512, 64], strides = [1, 1]} : vector<512x128xf32> to vector<512x64xf32>
    %sub3A_17 = arith.subf %slice3A_15, %slice3A_16 : vector<512x64xf32>
    %mul3A_18 = vector.broadcast %get3A_13 : vector<512x1xf32> to vector<512x64xf32>
    %mul3A_19 = arith.mulf %sub3A_17, %mul3A_18 : vector<512x64xf32>
    %add3A_20 = arith.addf %slice3A_14, %mul3A_19 : vector<512x64xf32>
    %get3A_21 = arith.constant 0 : index
    %get3A_22 = arith.constant 0 : index
    %get3A_23 = vector.load %arg3[%get3A_21, %get3A_22] : memref<2048x128xf32, #tpu.memory_space<vmem>>, vector<2048x128xf32>
    %get3A_24 = arith.constant 0 : index
    %get3A_25 = arith.constant 0 : index
    %get3A_26 = vector.load %arg7[%get3A_24, %get3A_25] : memref<2048x1xf32, #tpu.memory_space<vmem>>, vector<2048x1xf32>
    %slice3A_27 = vector.extract_strided_slice %get3A_23 {offsets = [0, 0], sizes = [2048, 64], strides = [1, 1]} : vector<2048x128xf32> to vector<2048x64xf32>
    %slice3A_28 = vector.extract_strided_slice %get3A_23 {offsets = [0, 64], sizes = [2048, 64], strides = [1, 1]} : vector<2048x128xf32> to vector<2048x64xf32>
    %slice3A_29 = vector.extract_strided_slice %get3A_23 {offsets = [0, 0], sizes = [2048, 64], strides = [1, 1]} : vector<2048x128xf32> to vector<2048x64xf32>
    %sub3A_30 = arith.subf %slice3A_28, %slice3A_29 : vector<2048x64xf32>
    %mul3A_31 = vector.broadcast %get3A_26 : vector<2048x1xf32> to vector<2048x64xf32>
    %mul3A_32 = arith.mulf %sub3A_30, %mul3A_31 : vector<2048x64xf32>
    %add3A_33 = arith.addf %slice3A_27, %mul3A_32 : vector<2048x64xf32>
    %get3A_34 = arith.constant 0 : index
    %get3A_35 = arith.constant 0 : index
    %get3A_36 = vector.load %arg4[%get3A_34, %get3A_35] : memref<512x128xf32, #tpu.memory_space<vmem>>, vector<512x128xf32>
    %get3A_37 = arith.constant 0 : index
    %get3A_38 = arith.constant 0 : index
    %get3A_39 = vector.load %arg8[%get3A_37, %get3A_38] : memref<512x1xf32, #tpu.memory_space<vmem>>, vector<512x1xf32>
    %slice3A_40 = vector.extract_strided_slice %get3A_36 {offsets = [0, 0], sizes = [512, 64], strides = [1, 1]} : vector<512x128xf32> to vector<512x64xf32>
    %slice3A_41 = vector.extract_strided_slice %get3A_36 {offsets = [0, 64], sizes = [512, 64], strides = [1, 1]} : vector<512x128xf32> to vector<512x64xf32>
    %slice3A_42 = vector.extract_strided_slice %get3A_36 {offsets = [0, 0], sizes = [512, 64], strides = [1, 1]} : vector<512x128xf32> to vector<512x64xf32>
    %sub3A_43 = arith.subf %slice3A_41, %slice3A_42 : vector<512x64xf32>
    %mul3A_44 = vector.broadcast %get3A_39 : vector<512x1xf32> to vector<512x64xf32>
    %mul3A_45 = arith.mulf %sub3A_43, %mul3A_44 : vector<512x64xf32>
    %add3A_46 = arith.addf %slice3A_40, %mul3A_45 : vector<512x64xf32>
    %mul3A_47 = arith.mulf %add3A, %add3A_46 : vector<512x64xf32>
    %mul3A_48 = arith.mulf %mul3A_47, %add3A_20 : vector<512x64xf32>
    %reduce_sum3A = arith.constant dense<0.000000e+00> : vector<512xf32>
    %reduce_sum3A_49 = vector.multi_reduction <add>, %mul3A_48, %reduce_sum3A [1] : vector<512x64xf32> to vector<512xf32>
    %swap3A = arith.constant 0 : index
    %swap3A_50 = vector.load %arg11[%swap3A] : memref<512xf32, #tpu.memory_space<vmem>>, vector<512xf32>
    tpu.vector_store %arg11[%swap3A], %reduce_sum3A_49 {strides = array<i32>} : memref<512xf32, #tpu.memory_space<vmem>>, vector<512xf32>,
    %dot_general3A = arith.constant dense<0.000000e+00> : vector<512x2048xf32>
    %dot_general3A_51 = tpu.matmul %mul3A_47, %add3A_33, %dot_general3A {dimension_numbers = #tpu.dot_dimension_numbers<[1], [1], [0], [0], [0, 0, 1, 0], [], []>, precision = #tpu.contract_precision<fp32>, transpose_lhs_hint = false} : vector<512x64xf32>, vector<2048x64xf32>, vector<512x2048xf32> -> vector<512x2048xf32>
    %swap3A_52 = arith.constant 0 : index
    %swap3A_53 = arith.constant 0 : index
    %swap3A_54 = vector.load %arg10[%swap3A_52, %swap3A_53] : memref<512x2048xf32, #tpu.memory_space<vmem>>, vector<512x2048xf32>
    tpu.vector_store %arg10[%swap3A_52, %swap3A_53], %dot_general3A_51 {strides = array<i32>} : memref<512x2048xf32, #tpu.memory_space<vmem>>, vector<512x2048xf32>,
    %min3A = arith.constant 0.000000e+00 : f32
    %min3A_55 = vector.broadcast %min3A : f32 to vector<512xf32>
    %min3A_56 = arith.minimumf %reduce_sum3A_49, %min3A_55 : vector<512xf32>
    %abs3A = math.absf %reduce_sum3A_49 : vector<512xf32>
    %neg3A = arith.constant 0.000000e+00 : f32
    %neg3A_57 = vector.broadcast %neg3A : f32 to vector<512xf32>
    %neg3A_58 = arith.subf %neg3A_57, %abs3A : vector<512xf32>
    %exp3A = math.exp %neg3A_58 : vector<512xf32>
    %add3A_59 = arith.constant 1.000000e+00 : f32
    %add3A_60 = vector.broadcast %add3A_59 : f32 to vector<512xf32>
    %add3A_61 = arith.addf %add3A_60, %exp3A : vector<512xf32>
    %log3A = math.log %add3A_61 : vector<512xf32>
    %sub3A_62 = arith.subf %min3A_56, %log3A : vector<512xf32>
    %neg3A_63 = arith.constant 0.000000e+00 : f32
    %neg3A_64 = vector.broadcast %neg3A_63 : f32 to vector<512x2048xf32>
    %neg3A_65 = arith.subf %neg3A_64, %dot_general3A_51 : vector<512x2048xf32>
    %min3A_66 = arith.constant 0.000000e+00 : f32
    %min3A_67 = vector.broadcast %min3A_66 : f32 to vector<512x2048xf32>
    %min3A_68 = arith.minimumf %neg3A_65, %min3A_67 : vector<512x2048xf32>
    %abs3A_69 = math.absf %neg3A_65 : vector<512x2048xf32>
    %neg3A_70 = arith.constant 0.000000e+00 : f32
    %neg3A_71 = vector.broadcast %neg3A_70 : f32 to vector<512x2048xf32>
    %neg3A_72 = arith.subf %neg3A_71, %abs3A_69 : vector<512x2048xf32>
    %exp3A_73 = math.exp %neg3A_72 : vector<512x2048xf32>
    %add3A_74 = arith.constant 1.000000e+00 : f32
    %add3A_75 = vector.broadcast %add3A_74 : f32 to vector<512x2048xf32>
    %add3A_76 = arith.addf %add3A_75, %exp3A_73 : vector<512x2048xf32>
    %log3A_77 = math.log %add3A_76 : vector<512x2048xf32>
    %sub3A_78 = arith.subf %min3A_68, %log3A_77 : vector<512x2048xf32>
    %reduce_sum3A_79 = arith.constant dense<0.000000e+00> : vector<512xf32>
    %reduce_sum3A_80 = vector.multi_reduction <add>, %sub3A_78, %reduce_sum3A_79 [1] : vector<512x2048xf32> to vector<512xf32>
    %div3A = arith.constant 2.048000e+03 : f32
    %div3A_81 = vector.broadcast %div3A : f32 to vector<512xf32>
    %div3A_82 = arith.divf %reduce_sum3A_80, %div3A_81 : vector<512xf32>
    %get3A_83 = arith.constant 0 : index
    %get3A_84 = vector.load %arg9[%get3A_83] : memref<512xf32, #tpu.memory_space<vmem>>, vector<512xf32>
    %add3A_85 = arith.addf %sub3A_62, %div3A_82 : vector<512xf32>
    %mul3A_86 = arith.mulf %get3A_84, %add3A_85 : vector<512xf32>
    %reduce_sum3A_87 = vector.shape_cast %mul3A_86 : vector<512xf32> to vector<1x512xf32>
    %reduce_sum3A_88 = arith.constant dense<0.000000e+00> : vector<1xf32>
    %reduce_sum3A_89 = vector.multi_reduction <add>, %reduce_sum3A_87, %reduce_sum3A_88 [1] : vector<1x512xf32> to vector<1xf32>
    %reduce_sum3A_90 = vector.shape_cast %reduce_sum3A_89 : vector<1xf32> to vector<1x1xf32>
    %reduce_sum3A_91 = vector.extract %reduce_sum3A_90[0, 0] : f32 from vector<1x1xf32>
    %eq3A = arith.constant 0 : i32
    %eq3A_92 = arith.cmpi eq, %arg0, %eq3A : i32
    %convert_element_type3A = arith.extui %eq3A_92 : i1 to i32
    %cond3A = arith.constant 0 : i32
    %cond3A_93 = arith.cmpi ne, %convert_element_type3A, %cond3A : i32
    scf.if %cond3A_93 {
      %swap3A_101 = arith.constant 0.000000e+00 : f32
      %swap3A_102 = arith.constant 0 : index
      %swap3A_103 = arith.constant 0 : index
      %swap3A_104 = memref.load %arg12[%swap3A_102, %swap3A_103] : memref<1x1xf32, #tpu.memory_space<smem>>
      memref.store %swap3A_101, %arg12[%swap3A_102, %swap3A_103] : memref<1x1xf32, #tpu.memory_space<smem>>
    } else {
    }
    %get3A_94 = arith.constant 0 : index
    %get3A_95 = arith.constant 0 : index
    %get3A_96 = memref.load %arg12[%get3A_94, %get3A_95] : memref<1x1xf32, #tpu.memory_space<smem>>
    %sub3A_97 = arith.subf %get3A_96, %reduce_sum3A_91 : f32
    %swap3A_98 = arith.constant 0 : index
    %swap3A_99 = arith.constant 0 : index
    %swap3A_100 = memref.load %arg12[%swap3A_98, %swap3A_99] : memref<1x1xf32, #tpu.memory_space<smem>>
    memref.store %sub3A_97, %arg12[%swap3A_98, %swap3A_99] : memref<1x1xf32, #tpu.memory_space<smem>>
    return
  }
  func.func @transform_0(%arg0: i32) -> (i32, i32) {
    %c0_i32 = arith.constant 0 : i32
    %c0_i32_0 = arith.constant 0 : i32
    return %arg0, %c0_i32 : i32, i32
  }
  func.func @transform_1(%arg0: i32) -> (i32, i32) {
    %add3A = arith.constant 8 : i32
    %add3A_0 = arith.addi %arg0, %add3A : i32
    %c0_i32 = arith.constant 0 : i32
    %c0_i32_1 = arith.constant 0 : i32
    return %add3A_0, %c0_i32 : i32, i32
  }
  func.func @transform_2(%arg0: i32) -> (i32, i32) {
    %c4_i32 = arith.constant 4 : i32
    %c0_i32 = arith.constant 0 : i32
    %c0_i32_0 = arith.constant 0 : i32
    return %c4_i32, %c0_i32 : i32, i32
  }
  func.func @transform_3(%arg0: i32) -> (i32, i32) {
    %c0_i32 = arith.constant 0 : i32
    %c0_i32_0 = arith.constant 0 : i32
    return %arg0, %c0_i32 : i32, i32
  }
  func.func @transform_4(%arg0: i32) -> (i32, i32) {
    %c0_i32 = arith.constant 0 : i32
    %c0_i32_0 = arith.constant 0 : i32
    return %arg0, %c0_i32 : i32, i32
  }
  func.func @transform_5(%arg0: i32) -> (i32, i32) {
    %add3A = arith.constant 8 : i32
    %add3A_0 = arith.addi %arg0, %add3A : i32
    %c0_i32 = arith.constant 0 : i32
    %c0_i32_1 = arith.constant 0 : i32
    return %add3A_0, %c0_i32 : i32, i32
  }
  func.func @transform_6(%arg0: i32) -> (i32, i32) {
    %c4_i32 = arith.constant 4 : i32
    %c0_i32 = arith.constant 0 : i32
    %c0_i32_0 = arith.constant 0 : i32
    return %c4_i32, %c0_i32 : i32, i32
  }
  func.func @transform_7(%arg0: i32) -> (i32, i32) {
    %c0_i32 = arith.constant 0 : i32
    %c0_i32_0 = arith.constant 0 : i32
    return %arg0, %c0_i32 : i32, i32
  }
  func.func @transform_8(%arg0: i32) -> i32 {
    %c0_i32 = arith.constant 0 : i32
    return %arg0 : i32
  }
  func.func @transform_9(%arg0: i32) -> (i32, i32) {
    %c0_i32 = arith.constant 0 : i32
    %c0_i32_0 = arith.constant 0 : i32
    return %arg0, %c0_i32 : i32, i32
  }
  func.func @transform_10(%arg0: i32) -> i32 {
    %c0_i32 = arith.constant 0 : i32
    return %arg0 : i32
  }
  func.func @transform_11(%arg0: i32) -> (i32, i32) {
    %c0_i32 = arith.constant 0 : i32
    %c0_i32_0 = arith.constant 0 : i32
    %c0_i32_1 = arith.constant 0 : i32
    return %c0_i32, %c0_i32_0 : i32, i32
  }
}

</mosaic_0001>

<sc_bundles>
// kernel: kernel.6.cloned.1.call-start
scs
__scs_entry_jumppad:
0x0: {  	(pc) =	sbr.rel $0x88, $3  }
0x1: {  	(tag) =	ssettag $0x0;
	lr =	simm.s32 $0x1  }
0x2: {  	[smem:$0x3F9A] =	sst lr;
	_ =	strace $0xD0000000  }
0x3: {  	_ = 	snop  }
0x4: {  	_ = 	snop  }
0x5: {  	_ = 	snop  }
0x6: {  	_ = 	snop  }
0x7: {  	_ = 	snop  }
__scs_overlays_trampoline_lowered:
0x8: {  	[smem:$0x3FA9] =	sst s0  }
0x9: {  	[smem:$0x3FAA] =	sst s1  }
0xa: {  	[smem:$0x3FAB] =	sst s2  }
0xb: {  	[smem:$0x3FAC] =	sst s3  }
0xc: {  	[smem:$0x3FAD] =	sst s4  }
0xd: {  	[smem:$0x3FAE] =	sst s5  }
0xe: {  	[smem:$0x3FAF] =	sst s6  }
0xf: {  	[smem:$0x3FB0] =	sst s7  }
0x10: {  	[smem:$0x3FB1] =	sst s8  }
0x11: {  	[smem:$0x3FB2] =	sst s9;
	s0 =	simm.s32 @!p0 $0x0  }
0x12: {  	s1 =	sld [smem:$0x3F98];
	s0 =	simm.s32 @p0 $0x1  }
0x13: {  	[smem:$0x3FB3] =	sst s0;
	s0 =	simm.s32 @!p1 $0x0  }
0x14: {  	s2 =	sld [smem:$0x3F97];
	s0 =	simm.s32 @p1 $0x1  }
0x15: {  	[smem:$0x3FB4] =	sst s0;
	s0 =	simm.s32 @!p2 $0x0  }
0x16: {  	s3 =	sld [smem:$0x3FDB];
	s0 =	simm.s32 @p2 $0x1  }
0x17: {  	s4 =	simm.s32 $0x1BF5;
	[smem:$0x3FB6] =	sst s0  }
0x18: {  	s0 =	sld [smem:$0x3F99];
	_ =	swait.ge [sflag:s4], $0x0  }
0x19: {  	s7 =	sld [smem:$0x3F9A]  }
0x1a: {  	s8 =	sadd.s32 $0xFFFFE003, lr  }
0x1b: {  	s9 =	sadd.s32 $0xFFFFFEF7, lr;
	s5 =	simm.s32 $0xFFFFFFFF;
	p2 =	slt.u32 s8, $0xFFFFF086  }
0x1c: {  	p1 =	slt.u32 s9, $0xF7A;
	s5 =	simm.s32 @!p2 $0x0  }
0x1d: {  	s5 =	simm.s32 @p1 $0x1;
	p0 =	seq.s32 s7, s2  }
0x1e: {  	s7 =	smul.u32 @!p0 $0xF7A, s2;
	p2 =	seq.s32 @!p0 s5, $0x0  }
0x1f: {  	s9 =	smul.u32 $0xF7A, s1;
	s8 =	simm.s32 @!p0 $0x1BF5;
	p2 =	por !p2, p0  }
0x20: {  	[sflag:s8] =	ssyncset.s32 @!p0 $0xFFFFF086;
	s6 =	sadd.s32 @!p0 s3, s7;
	s7 =	simm.s32 @!p0 $0x108  }
0x21: {  	s3 =	sadd.s32 s3, s9;
	s6 =	sadd.s32 @!p0 $0x88, s6;
	s7 =	simm.s32 @p2 $0x1082  }
0x22: {  	[simem:s7], [sflag:s8] =	dma.local @!p0 [hbm:s6], $0xF7A  }
0x23: {  	s9 =	sor.u32 $0xD0000000, s2;
	s6 =	simm.s32 $0x108;
	_ =	swait.ge @!p0 [sflag:s8], $0x0  }
0x24: {  	s3 =	sadd.s32 $0x88, s3;
	s6 =	simm.s32 @!p1 $0x1082;
	[sflag:s4] =	ssyncset.s32 $0xFFFFF086  }
0x25: {  	[simem:s6], [sflag:s4] =	dma.local [hbm:s3], $0xF7A  }
0x26: {  	[smem:$0x3F9A] =	sst s1;
	(tag) =	ssettag s2;
	_ =	strace s9  }
0x27: {  	s1 =	sld [smem:$0x3FAA]  }
0x28: {  	s2 =	sld [smem:$0x3FAB]  }
0x29: {  	s4 =	sld [smem:$0x3FAD]  }
0x2a: {  	p0 =	seq.s32 s5, $0x0;
	s5 =	sld [smem:$0x3FAE]  }
0x2b: {  	s6 =	sld [smem:$0x3FAF]  }
0x2c: {  	s7 =	sld [smem:$0x3FB0]  }
0x2d: {  	s3 =	simm.s32 $0x108;
	s8 =	sld [smem:$0x3FB1]  }
0x2e: {  	s3 =	simm.s32 @!p0 $0x1082;
	s9 =	sld [smem:$0x3FB2]  }
0x2f: {  	lr =	sadd.s32 s0, s3;
	s0 =	sld [smem:$0x3FA9]  }
0x30: {  	s3 =	sld [smem:$0x3FAC]  }
0x31: {  	[smem:$0x3FB5] =	sst s10  }
0x32: {  	s10 =	sld [smem:$0x3FB3];
	_ =	sdelay $0x3  }
0x33: {  	p0 =	seq.s32 s10, $0x1;
	s10 =	sld [smem:$0x3FB5];
	_ =	sdelay $0x3  }
0x34: {  	[smem:$0x3FB5] =	sst s10  }
0x35: {  	s10 =	sld [smem:$0x3FB4];
	_ =	sdelay $0x3  }
0x36: {  	p1 =	seq.s32 s10, $0x1;
	s10 =	sld [smem:$0x3FB5];
	_ =	sdelay $0x3  }
0x37: {  	[smem:$0x3FB5] =	sst s10  }
0x38: {  	s10 =	sld [smem:$0x3FB6]  }
0x39: {  	_ = 	snop;
	(pc) =	sbr.ind lr, $3  }
0x3a: {  	_ = 	snop  }
0x3b: {  	_ = 	snop  }
0x3c: {  	p2 =	seq.s32 s10, $0x1;
	s10 =	sld [smem:$0x3FB5]  }
0x3d: {  	_ =	shalt  }
0x3e: {  	_ =	shalt  }
0x3f: {  	_ =	shalt  }
0x40: {  	_ =	shalt  }
0x41: {  	_ =	shalt  }
0x42: {  	_ =	shalt  }
0x43: {  	_ =	shalt  }
0x44: {  	_ =	shalt  }
0x45: {  	_ =	shalt  }
0x46: {  	_ =	shalt  }
0x47: {  	_ =	shalt  }
0x48: {  	_ =	shalt  }
0x49: {  	_ =	shalt  }
0x4a: {  	_ =	shalt  }
0x4b: {  	_ =	shalt  }
0x4c: {  	_ =	shalt  }
0x4d: {  	_ =	shalt  }
0x4e: {  	_ =	shalt  }
0x4f: {  	_ =	shalt  }
0x50: {  	_ =	shalt  }
0x51: {  	_ =	shalt  }
0x52: {  	_ =	shalt  }
0x53: {  	_ =	shalt  }
0x54: {  	_ =	shalt  }
0x55: {  	_ =	shalt  }
0x56: {  	_ =	shalt  }
0x57: {  	_ =	shalt  }
0x58: {  	_ =	shalt  }
0x59: {  	_ =	shalt  }
0x5a: {  	_ =	shalt  }
0x5b: {  	_ =	shalt  }
0x5c: {  	_ =	shalt  }
0x5d: {  	_ =	shalt  }
0x5e: {  	_ =	shalt  }
0x5f: {  	_ =	shalt  }
0x60: {  	_ =	shalt  }
0x61: {  	_ =	shalt  }
0x62: {  	_ =	shalt  }
0x63: {  	_ =	shalt  }
0x64: {  	_ =	shalt  }
0x65: {  	_ =	shalt  }
0x66: {  	_ =	shalt  }
0x67: {  	_ =	shalt  }
0x68: {  	_ =	shalt  }
0x69: {  	_ =	shalt  }
0x6a: {  	_ =	shalt  }
0x6b: {  	_ =	shalt  }
0x6c: {  	_ =	shalt  }
0x6d: {  	_ =	shalt  }
0x6e: {  	_ =	shalt  }
0x6f: {  	_ =	shalt  }
0x70: {  	_ =	shalt  }
0x71: {  	_ =	shalt  }
0x72: {  	_ =	shalt  }
0x73: {  	_ =	shalt  }
0x74: {  	_ =	shalt  }
0x75: {  	_ =	shalt  }
0x76: {  	_ =	shalt  }
0x77: {  	_ =	shalt  }
0x78: {  	_ =	shalt  }
0x79: {  	_ =	shalt  }
0x7a: {  	_ =	shalt  }
0x7b: {  	_ =	shalt  }
0x7c: {  	_ =	shalt  }
0x7d: {  	_ =	shalt  }
0x7e: {  	_ =	shalt  }
0x7f: {  	_ =	shalt  }
0x80: {  	_ =	shalt  }
0x81: {  	_ =	shalt  }
0x82: {  	_ =	shalt  }
0x83: {  	_ =	shalt  }
0x84: {  	_ =	shalt  }
0x85: {  	_ =	shalt  }
0x86: {  	_ =	shalt  }
0x87: {  	_ =	shalt  }
.Lfunc_end0:
.L_simem_size_0:
called_computation_lowered:
.L_overlay_start_0:
0x88: {  	s2 =	sld [smem:$0x3FD9]  }
0x89: {  	s3 =	sld [smem:$0x3FFE];
	_ =	sdelay $0x1  }
0x8a: {  	s1 =	srdreg.scid  }
0x8b: {  	s0 =	sand.u32 $0x1, s1  }
0x8c: {  	s14 =	sshll.u32 s0, $0xA;
	s2 =	sadd.s32 s3, s2  }
0x8d: {  	s2 =	sadd.s32 s2, s14  }
0x8e: {  	[smem:$0x3FC1] =	sst s2  }
0x8f: {  	_ = 	snop  }
0x90: {  	s2 =	sld [smem:$0x3FD0];
	_ =	sdelay $0x2  }
0x91: {  	s15 =	simm.s32 $0xA;
	s4 =	simm.s32 $0x10  }
0x92: {  	[smem:s4], [sflag:s15] =	dma.local [hbm:s2], $0x1  }
0x93: {  	_ =	swait.eq [sflag:s15], $0x1  }
0x94: {  	[sflag:s15] =	ssyncset.done $0x0  }
0x95: {  	s16 =	sld [smem:$0x11];
	[sflag:s15] =	ssyncadd.s32 $0xFFFFFFFF  }
0x96: {  	s17 =	sld [smem:$0x12];
	(tm) =	ssettm $0x1  }
0x97: {  	s18 =	sld [smem:$0x3FFB];
	_ =	sdelay $0x3  }
0x98: {  	_ =	strace s18  }
0x99: {  	s4 =	sld [smem:$0x3FFC];
	_ =	sdelay $0x3  }
0x9a: {  	_ =	strace s4  }
0x9b: {  	s4 =	sld [smem:$0x3FFD];
	_ =	sdelay $0x3  }
0x9c: {  	_ =	strace s4  }
0x9d: {  	_ =	strace $0x8FFFFFFF  }
0x9e: {  	s19 =	sld [smem:$0x3FDB];
	_ =	sdelay $0x1  }
0x9f: {  	s5 =	simm.s32 $_scs_section_size  }
0xa0: {  	s6 =	simm.s32 $_size__tile_overlayer_lowered;
	s7 =	simm.s32 $_tile_overlayer_lowered  }
0xa1: {  	s22 =	simm.s32 $0x1BFF;
	s21 =	sshll.u32 s7, $0x1;
	s4 =	sadd.s32 s5, s19  }
0xa2: {  	s8 =	simm.s32 $0x0;
	s20 =	sshll.u32 s6, $0x1;
	s6 =	sadd.s32 s21, s4  }
0xa3: {  	[timem:s8], [sflag:s22] =	dma.local [hbm:s6], s20  }
0xa4: {  	_ =	swait.ge [sflag:s22], s20  }
0xa5: {  	s5 =	ssub.s32 $0x0, s20;
	[sflag:s22] =	ssyncset.done $0x0  }
0xa6: {  	[sflag:s22] =	ssyncadd.s32 s5;
	_ =	sdelay $0x1  }
0xa7: {  	s23 =	simm.s32 $0x1B8B  }
0xa8: {  	_ =	swait.ge [sflag:s23], $0x1  }
0xa9: {  	[sflag:s23] =	ssyncset.done $0x0  }
0xaa: {  	s25 =	simm.s32 $0x1B8E;
	s24 =	sld [smem:$0x3FFE];
	[sflag:s23] =	ssyncadd.s32 $0xFFFFFFFF  }
0xab: {  	s26 =	simm.s32 $execute0_lowered;
	[smem:$0x3FD2] =	sst s25  }
0xac: {  	s6 =	sshll.u32 s26, $0x1;
	_ =	strace $0x80000046;
	[dreg:$0x1] =	wrdreg $0xFFFFFFFF  }
0xad: {  	s28 =	simm.s32 $_size_execute0_lowered;
	s4 =	sadd.s32 s4, s6;
	[dreg:$0x0] =	wrdreg $0x0  }
0xae: {  	s6 =	sshll.u32 s28, $0x1;
	[dreg:$0x2] =	wrdreg s4  }
0xaf: {  	[dreg:$0x3] =	wrdreg s6  }
0xb0: {  	[dreg:$0x4] =	wrdreg $0xC0  }
0xb1: {  	_ =	task [dreg:s8], $0x5FFFF  }
0xb2: {  	[dreg:$0x1] =	wrdreg $0xFFFFFFFF  }
0xb3: {  	[dreg:$0x0] =	wrdreg $0x60  }
0xb4: {  	[dreg:$0x2] =	wrdreg s24  }
0xb5: {  	[dreg:$0x3] =	wrdreg s16  }
0xb6: {  	[dreg:$0x4] =	wrdreg s17  }
0xb7: {  	[dreg:$0x5] =	wrdreg $0x9  }
0xb8: {  	_ =	task.clear_ibuf [dreg:s8], $0x6FFFF;
	_ =	strace $0x90000046  }
0xb9: {  	s29 =	simm.s32 $0x9;
	_ =	strace $0x80000048  }
0xba: {  	_ =	swait.ge [sflag:s29], $0x1  }
0xbb: {  	[sflag:s29] =	ssyncadd.s32 $0xFFFFFFFF  }
0xbc: {  	_ =	strace $0x90000048  }
0xbd: {  	_ =	sfence  }
0xbe: {  	s30 =	sld [smem:$0x0];
	_ =	sdelay $0x2  }
0xbf: {  	s31 =	sshll.u32 s1, $0xD;
	s1 =	sshrl.u32 s1, $0x2  }
0xc0: {  	s3 =	sand.u32 $0x4000, s31;
	s1 =	sadd.s32 s1, s30  }
0xc1: {  	s0 =	sor.u32 s3, s0;
	s1 =	sshll.u32 s1, $0x11  }
0xc2: {  	s0 =	sor.u32 s1, s0  }
0xc3: {  	s0 =	sadd.s32 $0x8F2B, s0  }
0xc4: {  	[sflag:s0] =	ssyncadd.remote.s32 $0x1  }
0xc5: {  	_ =	sfence.sel $0xFFFF  }
0xc6: {  	[dreg:$0x0] =	wrdreg $0xFFFFFFFF;
	(pc) =	sbr.abs _section_cstart, $3  }
0xc7: {  	[dreg:$0x1] =	wrdreg $0xFFFFFFFF  }
0xc8: {  	_ =	task.clear_ibuf [dreg:s8], $0x2FFFF;
	_ =	strace $0x9FFFFFFF  }
0xc9: {  	(tm) =	ssettm $0x7FFFFFFF  }
tec
execute0_lowered:
.L_overlay_start_1:
0x0: {  	(tag) =	ssettag $0x1  }
0x1: {  	s5 =	rddreg [dreg:$0x0]  }
0x2: {  	s11 =	rddreg [dreg:$0x1]  }
0x3: {  	s10 =	rddreg [dreg:$0x2]  }
0x4: {  	s0 =	rddreg [dreg:$0x3];
	s2 =	simm.s32 $0x0;
	s4 =	srdreg.scid  }
0x5: {  	s1 =	stileid.u32;
	s17 =	simm.s32 $0x1;
	[smem:$0x7FF] =	sst s2  }
0x6: {  	s3 =	sadd.s32 $0x2400, s5;
	s6 =	sand.u32 $0x1, s4;
	s7 =	sshll.u32 s1, $0x1  }
0x7: {  	s4 =	sadd.s32 $0x7AA400, s5;
	s9 =	sadd.s32 $0x7AC400, s5;
	s7 =	sor.u32 s6, s7  }
0x8: {  	_ =	strace $0x80000047;
	s6 =	ssub.s32 $0x2, s6;
	s8 =	sshll.u32 s7, $0xB  }
0x9: {  	s12 =	sshrl.u32 s6, $0x1;
	s28 =	sshll.u32 s7, $0x4;
	s15 =	sor.u32 $0x20, s7  }
0xa: {  	s16 =	sor.u32 $0x40, s7;
	s13 =	sadd.s32 s8, s5;
	s14 =	ssub.s32 s6, s12  }
0xb: {  	s5 =	sadd.s32 s9, s28;
	s6 =	sadd.s32 s10, s8;
	s29 =	sshll.u32 s15, $0x4  }
0xc: {  	s30 =	sadd.s32 $0xFFFFFFB0, s16;
	s15 =	sshll.u32 s15, $0xB;
	s11 =	sadd.s32 s11, s28  }
0xd: {  	s7 =	sadd.s32 s9, s29;
	s16 =	smin.u32 s16, s30;
	s8 =	sadd.s32 s10, s15  }
0xe: {  	s12 =	sadd.s32 $0x7ACA00, s13;
	s13 =	smax.u32 s14, $0x1;
	s14 =	simm.s32 $0x2  }
0xf: {  	s15 =	simm.s32 $0x80;
	s31 =	sshll.u32 s16, $0x4;
	s16 =	sshll.u32 s16, $0xB  }
0x10: {  	s9 =	sadd.s32 s9, s31;
	s10 =	sadd.s32 s10, s16;
	s16 =	simm.s32 $0x100  }
.LBB2_1:
0x11: {  	[tilespmem:s2], [sflag:$0x2] =	stream.linear.gather [hbm4b:s5+s2], $0x80, $0x38;
	[tilespmem:$0x4100] =	vst v63  }
0x12: {  	_ =	swait.ge [sflag:s14], $0x80  }
0x13: {  	[sflag:s14] =	ssyncset.done $0x0  }
0x14: {  	[sflag:s14] =	ssyncadd.s32 $0xFFFFFF80  }
0x15: {  	v0 =	vld [tilespmem:$0x0]  }
0x16: {  	v1 =	vld [tilespmem:$0x10]  }
0x17: {  	v2 =	vld [tilespmem:$0x20]  }
0x18: {  	v3 =	vld [tilespmem:$0x30]  }
0x19: {  	v5 =	vld [tilespmem:$0x40]  }
0x1a: {  	v7 =	vld [tilespmem:$0x50]  }
0x1b: {  	v4 =	vshra.s32 v0, $0x1  }
0x1c: {  	v16 =	vld [tilespmem:$0x70];
	v0 =	vand.u32 $0x7FF, v0;
	v6 =	vshra.s32 v1, $0x1;
	v14 =	vshra.s32 v2, $0x1  }
0x1d: {  	v1 =	vand.u32 $0x7FF, v1;
	v2 =	vand.u32 $0x7FF, v2;
	v15 =	vshra.s32 v3, $0x1  }
0x1e: {  	v3 =	vand.u32 $0x7FF, v3;
	v18 =	vshra.s32 v5, $0x1;
	v4 =	vand.u32 $0xFFFFF800, v4  }
0x1f: {  	v8 =	vld [tilespmem:$0x60];
	v20 =	vshra.s32 v7, $0x1;
	v13 =	vand.u32 $0xFFFFF800, v6;
	v0 =	vor.u32 v0, v4  }
0x20: {  	v21 =	vand.u32 $0x7FF, v5;
	v6 =	vand.u32 $0xFFFFF800, v14;
	v1 =	vor.u32 v1, v13;
	[tilespmem:$0x80] =	vst v0  }
0x21: {  	v28 =	vshra.s32 v16, $0x1;
	v19 =	vand.u32 $0xFFFFF800, v18;
	v2 =	vor.u32 v2, v6;
	[tilespmem:$0x90] =	vst v1  }
0x22: {  	v30 =	vand.u32 $0x7FF, v16;
	v29 =	vand.u32 $0xFFFFF800, v28;
	v23 =	vor.u32 v21, v19;
	[tilespmem:$0xA0] =	vst v2  }
0x23: {  	v22 =	vand.u32 $0x7FF, v7;
	v17 =	vand.u32 $0xFFFFF800, v15;
	v31 =	vor.u32 v30, v29;
	[tilespmem:$0xC0] =	vst v23  }
0x24: {  	v25 =	vshra.s32 v8, $0x1;
	v0 =	vor.u32 v3, v17;
	v3 =	vand.u32 $0xFFFFF800, v20;
	[tilespmem:$0xF0] =	vst v31  }
0x25: {  	v27 =	vand.u32 $0x7FF, v8;
	v26 =	vand.u32 $0xFFFFF800, v25;
	[tilespmem:$0xB0] =	vst v0;
	v24 =	vor.u32 v22, v3  }
0x26: {  	v0 =	vor.u32 v27, v26;
	[tilespmem:$0xD0] =	vst v24  }
0x27: {  	[tilespmem:$0xE0] =	vst v0  }
0x28: {  	[tilespmem:s16], [sflag:$0x1] =	stream.indirect.gather [hbm4b:s3+s15], $0x80, s15, s15, $0xb8;
	[tilespmem:$0x4100] =	vst v63  }
0x29: {  	_ =	swait.ge [sflag:s17], $0x4000  }
0x2a: {  	[sflag:s17] =	ssyncset.done $0x0  }
0x2b: {  	[sflag:s17] =	ssyncadd.s32 $0xFFFFC000  }
0x2c: {  	[hbm4b:s6+s2] =	stream.linear.scatter [tilespmem:s16], [sflag:$0x2], $0x4000, $0x38;
	[tilespmem:$0x4100] =	vst v63  }
0x2d: {  	_ =	swait.ge [sflag:s14], $0x4000  }
0x2e: {  	[sflag:s14] =	ssyncset.done $0x0  }
0x2f: {  	[sflag:s14] =	ssyncadd.s32 $0xFFFFC000  }
0x30: {  	[tilespmem:s2], [sflag:$0x2] =	stream.linear.gather [hbm4b:s7+s2], $0x80, $0x38;
	[tilespmem:$0x4100] =	vst v63  }
0x31: {  	_ =	swait.ge [sflag:s14], $0x80  }
0x32: {  	[sflag:s14] =	ssyncset.done $0x0  }
0x33: {  	[sflag:s14] =	ssyncadd.s32 $0xFFFFFF80  }
0x34: {  	v32 =	vld [tilespmem:$0x0]  }
0x35: {  	v33 =	vld [tilespmem:$0x10]  }
0x36: {  	v34 =	vld [tilespmem:$0x20]  }
0x37: {  	v35 =	vld [tilespmem:$0x30]  }
0x38: {  	v37 =	vld [tilespmem:$0x40]  }
0x39: {  	v39 =	vld [tilespmem:$0x50]  }
0x3a: {  	v36 =	vshra.s32 v32, $0x1  }
0x3b: {  	v44 =	vld [tilespmem:$0x70];
	v0 =	vand.u32 $0x7FF, v32;
	v38 =	vshra.s32 v33, $0x1;
	v41 =	vshra.s32 v34, $0x1  }
0x3c: {  	v1 =	vand.u32 $0x7FF, v33;
	v2 =	vand.u32 $0x7FF, v34;
	v43 =	vshra.s32 v35, $0x1  }
0x3d: {  	v3 =	vand.u32 $0x7FF, v35;
	v46 =	vshra.s32 v37, $0x1;
	v4 =	vand.u32 $0xFFFFF800, v36  }
0x3e: {  	v42 =	vld [tilespmem:$0x60];
	v48 =	vshra.s32 v39, $0x1;
	v40 =	vand.u32 $0xFFFFF800, v38;
	v0 =	vor.u32 v0, v4  }
0x3f: {  	v49 =	vand.u32 $0x7FF, v37;
	v6 =	vand.u32 $0xFFFFF800, v41;
	v1 =	vor.u32 v1, v40;
	[tilespmem:$0x80] =	vst v0  }
0x40: {  	v56 =	vshra.s32 v44, $0x1;
	v47 =	vand.u32 $0xFFFFF800, v46;
	v2 =	vor.u32 v2, v6;
	[tilespmem:$0x90] =	vst v1  }
0x41: {  	v58 =	vand.u32 $0x7FF, v44;
	v57 =	vand.u32 $0xFFFFF800, v56;
	v51 =	vor.u32 v49, v47;
	[tilespmem:$0xA0] =	vst v2  }
0x42: {  	v50 =	vand.u32 $0x7FF, v39;
	v45 =	vand.u32 $0xFFFFF800, v43;
	v59 =	vor.u32 v58, v57;
	[tilespmem:$0xC0] =	vst v51  }
0x43: {  	v53 =	vshra.s32 v42, $0x1;
	v0 =	vor.u32 v3, v45;
	v3 =	vand.u32 $0xFFFFF800, v48;
	[tilespmem:$0xF0] =	vst v59  }
0x44: {  	v55 =	vand.u32 $0x7FF, v42;
	v54 =	vand.u32 $0xFFFFF800, v53;
	[tilespmem:$0xB0] =	vst v0;
	v52 =	vor.u32 v50, v3  }
0x45: {  	v0 =	vor.u32 v55, v54;
	[tilespmem:$0xD0] =	vst v52  }
0x46: {  	[tilespmem:$0xE0] =	vst v0  }
0x47: {  	[tilespmem:s16], [sflag:$0x1] =	stream.indirect.gather [hbm4b:s3+s15], $0x80, s15, s15, $0xb8;
	[tilespmem:$0x4100] =	vst v63  }
0x48: {  	_ =	swait.ge [sflag:s17], $0x4000  }
0x49: {  	[sflag:s17] =	ssyncset.done $0x0  }
0x4a: {  	[sflag:s17] =	ssyncadd.s32 $0xFFFFC000  }
0x4b: {  	[hbm4b:s8+s2] =	stream.linear.scatter [tilespmem:s16], [sflag:$0x2], $0x4000, $0x38;
	[tilespmem:$0x4100] =	vst v63  }
0x4c: {  	_ =	swait.ge [sflag:s14], $0x4000  }
0x4d: {  	[sflag:s14] =	ssyncset.done $0x0  }
0x4e: {  	[sflag:s14] =	ssyncadd.s32 $0xFFFFC000  }
0x4f: {  	[tilespmem:s2], [sflag:$0x2] =	stream.linear.gather [hbm4b:s9+s2], $0x80, $0x38;
	[tilespmem:$0x4100] =	vst v63  }
0x50: {  	_ =	swait.ge [sflag:s14], $0x80  }
0x51: {  	[sflag:s14] =	ssyncset.done $0x0  }
0x52: {  	[sflag:s14] =	ssyncadd.s32 $0xFFFFFF80  }
0x53: {  	v60 =	vld [tilespmem:$0x0]  }
0x54: {  	v61 =	vld [tilespmem:$0x10]  }
0x55: {  	v62 =	vld [tilespmem:$0x20]  }
0x56: {  	v63 =	vld [tilespmem:$0x30]  }
0x57: {  	v13 =	vld [tilespmem:$0x40]  }
0x58: {  	v15 =	vld [tilespmem:$0x50]  }
0x59: {  	v12 =	vshra.s32 v60, $0x1  }
0x5a: {  	v20 =	vld [tilespmem:$0x70];
	v0 =	vand.u32 $0x7FF, v60;
	v14 =	vshra.s32 v61, $0x1;
	v17 =	vshra.s32 v62, $0x1  }
0x5b: {  	v1 =	vand.u32 $0x7FF, v61;
	v2 =	vand.u32 $0x7FF, v62;
	v19 =	vshra.s32 v63, $0x1  }
0x5c: {  	v3 =	vand.u32 $0x7FF, v63;
	v22 =	vshra.s32 v13, $0x1;
	v4 =	vand.u32 $0xFFFFF800, v12  }
0x5d: {  	v18 =	vld [tilespmem:$0x60];
	v24 =	vshra.s32 v15, $0x1;
	v16 =	vand.u32 $0xFFFFF800, v14;
	v0 =	vor.u32 v0, v4  }
0x5e: {  	v25 =	vand.u32 $0x7FF, v13;
	v6 =	vand.u32 $0xFFFFF800, v17;
	v1 =	vor.u32 v1, v16;
	[tilespmem:$0x80] =	vst v0  }
0x5f: {  	v32 =	vshra.s32 v20, $0x1;
	v23 =	vand.u32 $0xFFFFF800, v22;
	v2 =	vor.u32 v2, v6;
	[tilespmem:$0x90] =	vst v1  }
0x60: {  	v34 =	vand.u32 $0x7FF, v20;
	v33 =	vand.u32 $0xFFFFF800, v32;
	v27 =	vor.u32 v25, v23;
	[tilespmem:$0xA0] =	vst v2  }
0x61: {  	v26 =	vand.u32 $0x7FF, v15;
	v21 =	vand.u32 $0xFFFFF800, v19;
	v35 =	vor.u32 v34, v33;
	[tilespmem:$0xC0] =	vst v27  }
0x62: {  	v29 =	vshra.s32 v18, $0x1;
	v0 =	vor.u32 v3, v21;
	v3 =	vand.u32 $0xFFFFF800, v24;
	[tilespmem:$0xF0] =	vst v35  }
0x63: {  	v31 =	vand.u32 $0x7FF, v18;
	v30 =	vand.u32 $0xFFFFF800, v29;
	[tilespmem:$0xB0] =	vst v0;
	v28 =	vor.u32 v26, v3  }
0x64: {  	v0 =	vor.u32 v31, v30;
	[tilespmem:$0xD0] =	vst v28  }
0x65: {  	[tilespmem:$0xE0] =	vst v0  }
0x66: {  	[tilespmem:s16], [sflag:$0x1] =	stream.indirect.gather [hbm4b:s3+s15], $0x80, s15, s15, $0xb8;
	[tilespmem:$0x4100] =	vst v63  }
0x67: {  	_ =	swait.ge [sflag:s17], $0x4000  }
0x68: {  	[sflag:s17] =	ssyncset.done $0x0  }
0x69: {  	[sflag:s17] =	ssyncadd.s32 $0xFFFFC000  }
0x6a: {  	[hbm4b:s10+s2] =	stream.linear.scatter [tilespmem:s16], [sflag:$0x2], $0x4000, $0x38;
	[tilespmem:$0x4100] =	vst v63  }
0x6b: {  	_ =	swait.ge [sflag:s14], $0x4000  }
0x6c: {  	[sflag:s14] =	ssyncset.done $0x0  }
0x6d: {  	[sflag:s14] =	ssyncadd.s32 $0xFFFFC000  }
0x6e: {  	[tilespmem:s2], [sflag:$0x2] =	stream.linear.gather [hbm4b:s11+s2], $0x80, $0x38;
	[tilespmem:$0x4100] =	vst v63  }
0x6f: {  	_ =	swait.ge [sflag:s14], $0x80  }
0x70: {  	[sflag:s14] =	ssyncset.done $0x0  }
0x71: {  	[sflag:s14] =	ssyncadd.s32 $0xFFFFFF80  }
0x72: {  	v36 =	vld [tilespmem:$0x0]  }
0x73: {  	v37 =	vld [tilespmem:$0x10]  }
0x74: {  	v38 =	vld [tilespmem:$0x20]  }
0x75: {  	v39 =	vld [tilespmem:$0x30]  }
0x76: {  	v41 =	vld [tilespmem:$0x40]  }
0x77: {  	v43 =	vld [tilespmem:$0x50]  }
0x78: {  	v40 =	vshra.s32 v36, $0x1  }
0x79: {  	v48 =	vld [tilespmem:$0x70];
	v0 =	vand.u32 $0x1FF, v36;
	v42 =	vshra.s32 v37, $0x1;
	v45 =	vshra.s32 v38, $0x1  }
0x7a: {  	v1 =	vand.u32 $0x1FF, v37;
	v2 =	vand.u32 $0x1FF, v38;
	v47 =	vshra.s32 v39, $0x1  }
0x7b: {  	v3 =	vand.u32 $0x1FF, v39;
	v50 =	vshra.s32 v41, $0x1;
	v4 =	vand.u32 $0xFFFFFE00, v40  }
0x7c: {  	v46 =	vld [tilespmem:$0x60];
	v52 =	vshra.s32 v43, $0x1;
	v44 =	vand.u32 $0xFFFFFE00, v42;
	v0 =	vor.u32 v0, v4  }
0x7d: {  	v53 =	vand.u32 $0x1FF, v41;
	v6 =	vand.u32 $0xFFFFFE00, v45;
	v1 =	vor.u32 v1, v44;
	[tilespmem:$0x80] =	vst v0  }
0x7e: {  	v60 =	vshra.s32 v48, $0x1;
	v51 =	vand.u32 $0xFFFFFE00, v50;
	v2 =	vor.u32 v2, v6;
	[tilespmem:$0x90] =	vst v1  }
0x7f: {  	v62 =	vand.u32 $0x1FF, v48;
	v61 =	vand.u32 $0xFFFFFE00, v60;
	v55 =	vor.u32 v53, v51;
	[tilespmem:$0xA0] =	vst v2  }
0x80: {  	v54 =	vand.u32 $0x1FF, v43;
	v49 =	vand.u32 $0xFFFFFE00, v47;
	v63 =	vor.u32 v62, v61;
	[tilespmem:$0xC0] =	vst v55  }
0x81: {  	v57 =	vshra.s32 v46, $0x1;
	v0 =	vor.u32 v3, v49;
	v3 =	vand.u32 $0xFFFFFE00, v52;
	[tilespmem:$0xF0] =	vst v63  }
0x82: {  	v59 =	vand.u32 $0x1FF, v46;
	v58 =	vand.u32 $0xFFFFFE00, v57;
	[tilespmem:$0xB0] =	vst v0;
	v56 =	vor.u32 v54, v3  }
0x83: {  	v0 =	vor.u32 v59, v58;
	[tilespmem:$0xD0] =	vst v56  }
0x84: {  	[tilespmem:$0xE0] =	vst v0  }
0x85: {  	[tilespmem:s16], [sflag:$0x1] =	stream.indirect.gather [hbm4b:s4+s15], $0x80, s15, s15, $0xb8;
	[tilespmem:$0x4100] =	vst v63  }
0x86: {  	_ =	swait.ge [sflag:s17], $0x4000  }
0x87: {  	p0 =	sne.s32 s13, $0x1;
	[sflag:s17] =	ssyncset.done $0x0  }
.Ltmp0:
0x88: {  	[sflag:s17] =	ssyncadd.s32 $0xFFFFC000;
	(pc) =	sbr.rel @p0 .LBB2_1-.Ltmp0, $4  }
0x89: {  	[hbm4b:s12+s2] =	stream.linear.scatter [tilespmem:s16], [sflag:$0x2], $0x4000, $0x38;
	[tilespmem:$0x4100] =	vst v63  }
0x8a: {  	_ =	swait.ge [sflag:s14], $0x4000  }
0x8b: {  	[sflag:s14] =	ssyncset.done $0x0  }
0x8c: {  	s13 =	sadd.s32 $0xFFFFFFFF, s13;
	[sflag:s14] =	ssyncadd.s32 $0xFFFFC000  }
0x8d: {  	_ =	sfence.sel $0x180000  }
0x8e: {  	[bflag:$0x0] =	sbarrier.arrive $0xFFFF  }
0x8f: {  	p0 =	sne.s32 s1, $0x0;
	_ =	strace $0x90000047  }
0x90: {  	s0 =	sadd.s32 @!p0 $0x100000, s0;
	[bflag:$0x2] =	sbarrier.arrive $0xFFFF  }
0x91: {  	[sflag:s0] =	ssyncadd.tile.s32 @!p0 $0x1;
	_ =	shalt  }
.Lfunc_end2:
_tile_overlayer_lowered:
.L_overlay_start_2:
0x92: {  	(tag) =	ssettag $0x2  }
0x93: {  	s0 =	rddreg [dreg:$0x0];
	s2 =	stileid.u32  }
0x94: {  	s1 =	rddreg [dreg:$0x1];
	p0 =	sne.s32 s2, $0x0  }
0x95: {  	s3 =	rddreg [dreg:$0x2];
	[bflag:$0x3] =	sbarrier.arrive $0xFFFF;
	s2 =	simm.s32 @!p0 $0x1C02  }
0x96: {  	[timem:s3], [sflag:s2] =	dma.local @!p0 [hbm:s0], s1  }
0x97: {  	s0 =	simm.s32 @!p0 $0x2  }
0x98: {  	_ =	swait.ge @!p0 [sflag:s0], s1  }
0x99: {  	s1 =	ssub.s32 @!p0 $0x0, s1;
	[sflag:s0] =	ssyncset.done @!p0 $0x0  }
0x9a: {  	[sflag:s0] =	ssyncadd.s32 @!p0 s1  }
0x9b: {  	[bflag:$0x3] =	sbarrier.arrive $0xFFFF  }
0x9c: {  	_ =	shalt  }

</sc_bundles>
